<compile_context>
chip_gen: v7x
topology: tpu7x:2x2x1
jax: 0.10.2.dev20260603
libtpu: 0.0.44.dev20260713+nightly
codegen_flags: <defaults>
</compile_context>

<pallas_src>
import functools

import jax
import jax.numpy as jnp
from jax import lax
from jax.experimental import pallas as pl
from jax.experimental.pallas import tpu as pltpu
from jax.experimental.pallas import tpu_sc as plsc

N = 10000
E = 320000
D = 128
G = 256
NC = 2
NS = 16
NW = NC * NS
C = 128
CHUNKS_W = 80
E_PAD = NW * CHUNKS_W * C
CA = 120
CHUNKS_A = 84
E_PAD_A = NW * CHUNKS_A * CA
EDGES_A = CHUNKS_A * CA
N_ACC = NW * 320
ROWS_T = N_ACC // NS

def _worker_id():
    return lax.axis_index("s") * NC + lax.axis_index("c")


def _deg_body(dst2_hbm, ones_hbm, zeros_hbm, out_hbm, di_v, ones_v, sem, deg_sp):
    cid = lax.axis_index("c")
    sid = lax.axis_index("s")
    wid = _worker_id()
    pltpu.sync_copy(zeros_hbm, deg_sp.at[pl.ds(sid * ROWS_T, ROWS_T)])
    pltpu.sync_copy(ones_hbm, ones_v)
    pltpu.sync_copy(dst2_hbm.at[pl.ds(wid * CHUNKS_W, CHUNKS_W)], di_v)
    plsc.subcore_barrier()

    def fire(j, carry):
        pltpu.async_copy(ones_v, deg_sp.at[di_v.at[j, 0]], sem, add=True)
        return carry

    def drain(j, carry):
        pltpu.make_async_copy(ones_v, deg_sp.at[di_v.at[0, 0]], sem).wait()
        return carry

    lax.fori_loop(0, CHUNKS_W, fire, 0, unroll=False)
    lax.fori_loop(0, CHUNKS_W, drain, 0, unroll=False)
    plsc.subcore_barrier()
    pltpu.sync_copy(
        deg_sp.at[pl.ds(sid * ROWS_T, ROWS_T)],
        out_hbm.at[cid, pl.ds(sid * ROWS_T, ROWS_T)],
    )


def _agg_body(y_hbm, src2_hbm, dst2_hbm, zeros_hbm, out_hbm,
              siA, siB, siC, diA, diB, diC, rA, rB, rC,
              gA, gB, gC, sA, sB, sC, iA, iB, iC, dA, dB, dC, acc_sp):
    cid = lax.axis_index("c")
    sid = lax.axis_index("s")
    wid = _worker_id()
    pltpu.sync_copy(zeros_hbm, acc_sp.at[pl.ds(sid * ROWS_T, ROWS_T)])
    plsc.subcore_barrier()

    base = wid * EDGES_A
    last = CHUNKS_A - 1

    pltpu.async_copy(src2_hbm.at[pl.ds(base, CA)], siA, iA)
    pltpu.async_copy(dst2_hbm.at[pl.ds(base, CA)], diA, dA)
    pltpu.async_copy(src2_hbm.at[pl.ds(base + CA, CA)], siB, iB)
    pltpu.async_copy(dst2_hbm.at[pl.ds(base + CA, CA)], diB, dB)
    pltpu.async_copy(src2_hbm.at[pl.ds(base + 2 * CA, CA)], siC, iC)
    pltpu.async_copy(dst2_hbm.at[pl.ds(base + 2 * CA, CA)], diC, dC)
    pltpu.make_async_copy(src2_hbm.at[pl.ds(base, CA)], siA, iA).wait()
    pltpu.async_copy(y_hbm.at[siA], rA, gA)
    pltpu.make_async_copy(src2_hbm.at[pl.ds(base, CA)], siB, iB).wait()
    pltpu.async_copy(y_hbm.at[siB], rB, gB)
    pltpu.make_async_copy(src2_hbm.at[pl.ds(base, CA)], siC, iC).wait()
    pltpu.async_copy(y_hbm.at[siC], rC, gC)

    lanes = ((siA, diA, rA, gA, sA, iA, dA, 0),
             (siB, diB, rB, gB, sB, iB, dB, 1),
             (siC, diC, rC, gC, sC, iC, dC, 2))

    def body(m, carry):
        j = 3 * m
        for (si, di, r, g, s, ii, dd, o) in lanes:
            pltpu.make_async_copy(y_hbm.at[si], r, g).wait()
            pltpu.make_async_copy(dst2_hbm.at[pl.ds(base, CA)], di, dd).wait()
            pltpu.async_copy(r, acc_sp.at[di], s, add=True)
            pltpu.make_async_copy(r, acc_sp.at[di], s).wait()
        for (si, di, r, g, s, ii, dd, o) in lanes:

            @pl.when(j + o + 3 <= last)
            def _(si=si, di=di, r=r, g=g, ii=ii, dd=dd, o=o):
                off = base + (j + o + 3) * CA
                pltpu.async_copy(src2_hbm.at[pl.ds(off, CA)], si, ii)
                pltpu.async_copy(dst2_hbm.at[pl.ds(off, CA)], di, dd)
                pltpu.make_async_copy(src2_hbm.at[pl.ds(base, CA)], si, ii).wait()
                pltpu.async_copy(y_hbm.at[si], r, g)

        return carry

    lax.fori_loop(0, CHUNKS_A // 3, body, 0, unroll=False)
    plsc.subcore_barrier()
    pltpu.sync_copy(
        acc_sp.at[pl.ds(sid * ROWS_T, ROWS_T)],
        out_hbm.at[cid, pl.ds(sid * ROWS_T, ROWS_T)],
    )


def _sagg_body(y2_hbm, src2_hbm, dst2_hbm, zeros_hbm, out_hbm,
               si_v, di_v, vals_v, y2_t, gsem, ssem, acc_sp):
    cid = lax.axis_index("c")
    sid = lax.axis_index("s")
    wid = _worker_id()
    pltpu.sync_copy(zeros_hbm, acc_sp.at[pl.ds(sid * ROWS_T, ROWS_T)])
    pltpu.sync_copy(y2_hbm, y2_t)
    pltpu.sync_copy(src2_hbm.at[pl.ds(wid * CHUNKS_W, CHUNKS_W)], si_v)
    pltpu.sync_copy(dst2_hbm.at[pl.ds(wid * CHUNKS_W, CHUNKS_W)], di_v)
    plsc.subcore_barrier()

    def gather_fire(j, carry):
        for k in range(C // 16):
            idx16 = si_v[j, 0, pl.ds(k * 16, 16)]
            vals_v[j, 0, pl.ds(k * 16, 16)] = plsc.load_gather(y2_t, [idx16])
        pltpu.async_copy(vals_v.at[j, 0], acc_sp.at[di_v.at[j, 0]], ssem, add=True)
        return carry

    def drain_scatter(j, carry):
        pltpu.make_async_copy(vals_v.at[0, 0], acc_sp.at[di_v.at[0, 0]], ssem).wait()
        return carry

    lax.fori_loop(0, CHUNKS_W, gather_fire, 0, unroll=False)
    lax.fori_loop(0, CHUNKS_W, drain_scatter, 0, unroll=False)
    plsc.subcore_barrier()
    pltpu.sync_copy(
        acc_sp.at[pl.ds(sid * ROWS_T, ROWS_T)],
        out_hbm.at[cid, pl.ds(sid * ROWS_T, ROWS_T)],
    )


@functools.cache
def _sc_kernels():
    mesh = plsc.VectorSubcoreMesh(
        core_axis_name="c", subcore_axis_name="s", num_cores=NC, num_subcores=NS
    )
    deg = pl.kernel(
        _deg_body,
        out_type=jax.ShapeDtypeStruct((NC, N_ACC), jnp.float32),
        mesh=mesh,
        scratch_types=[
            pltpu.VMEM((CHUNKS_W, 1, C), jnp.int32),
            pltpu.VMEM((C,), jnp.float32),
            pltpu.SemaphoreType.DMA,
            pltpu.VMEM_SHARED((N_ACC,), jnp.float32),
        ],
    )
    agg = pl.kernel(
        _agg_body,
        out_type=jax.ShapeDtypeStruct((NC, N_ACC, D), jnp.float32),
        mesh=mesh,
        scratch_types=(
            [pltpu.VMEM((CA,), jnp.int32)] * 6
            + [pltpu.VMEM((CA, D), jnp.float32)] * 3
            + [pltpu.SemaphoreType.DMA] * 12
            + [pltpu.VMEM_SHARED((N_ACC, D), jnp.float32)]
        ),
    )
    sagg = pl.kernel(
        _sagg_body,
        out_type=jax.ShapeDtypeStruct((NC, N_ACC), jnp.float32),
        mesh=mesh,
        compiler_params=pltpu.CompilerParams(needs_layout_passes=False),
        scratch_types=[
            pltpu.VMEM((CHUNKS_W, 1, C), jnp.int32),
            pltpu.VMEM((CHUNKS_W, 1, C), jnp.int32),
            pltpu.VMEM((CHUNKS_W, 1, C), jnp.float32),
            pltpu.VMEM((N_ACC,), jnp.float32),
            pltpu.SemaphoreType.DMA,
            pltpu.SemaphoreType.DMA,
            pltpu.VMEM_SHARED((N_ACC,), jnp.float32),
        ],
    )
    return deg, agg, sagg


def _yd_body(x_ref, w1_ref, dp0_ref, dp1_ref, y_ref, d_ref):
    d = lax.rsqrt(1.0 + dp0_ref[...] + dp1_ref[...])
    xw = jnp.dot(x_ref[...], w1_ref[...], preferred_element_type=jnp.float32)
    y_ref[...] = xw * d
    d_ref[...] = d


def _yd_tc(x, w1, dp0, dp1):
    return pl.pallas_call(
        _yd_body,
        out_shape=[
            jax.ShapeDtypeStruct((N, D), jnp.float32),
            jax.ShapeDtypeStruct((N, 1), jnp.float32),
        ],
    )(x, w1, dp0, dp1)


def _h_body(a0_ref, a1_ref, y_ref, d_ref, b1_ref, w2_ref, lw_ref, y2_ref):
    d = d_ref[...]
    agg = a0_ref[...] + a1_ref[...]
    pre = d * (agg + y_ref[...]) + b1_ref[...]
    h1 = jnp.maximum(pre, 0.0)
    wv = jnp.dot(w2_ref[...], lw_ref[...], preferred_element_type=jnp.float32)
    s = jnp.dot(h1, wv, preferred_element_type=jnp.float32)
    y2_ref[...] = d * s


def _h_tc(a0, a1, y, d, b1r, w2, lw):
    return pl.pallas_call(
        _h_body,
        out_shape=jax.ShapeDtypeStruct((N, 1), jnp.float32),
    )(a0, a1, y, d, b1r, w2, lw)


def _pool_body(a0_ref, a1_ref, y2_ref, d_ref, batch_ref, b2_ref, lw_ref,
               lb_ref, out_ref):
    d = d_ref[...]
    c2 = jnp.dot(b2_ref[...], lw_ref[...], preferred_element_type=jnp.float32)
    t = d * (a0_ref[...] + a1_ref[...]) + d * y2_ref[...] + c2
    gid = lax.broadcasted_iota(jnp.int32, (N, G), 1)
    onehot = (batch_ref[...] == gid).astype(jnp.float32)
    bsum = lax.dot_general(onehot, t, (((0,), (0,)), ((), ())),
                           preferred_element_type=jnp.float32)
    ones = jnp.ones((N, 1), jnp.float32)
    bcnt = lax.dot_general(onehot, ones, (((0,), (0,)), ((), ())),
                           preferred_element_type=jnp.float32)
    out_ref[...] = bsum / jnp.maximum(bcnt, 1.0) + lb_ref[...]


def _pool_tc(a0, a1, y2, d, batch_col, b2r, lw, lbr):
    return pl.pallas_call(
        _pool_body,
        out_shape=jax.ShapeDtypeStruct((G, 1), jnp.float32),
    )(a0, a1, y2, d, batch_col, b2r, lw, lbr)


def kernel(x, edge_index, batch, W1, b1, W2, b2, lin_W, lin_b):
    src = edge_index[0].astype(jnp.int32)
    dst = edge_index[1].astype(jnp.int32)
    pad_a = E_PAD_A - E
    src_f = jnp.concatenate([src, jnp.arange(pad_a, dtype=jnp.int32) % N])
    dst_f = jnp.concatenate(
        [dst, N + (jnp.arange(pad_a, dtype=jnp.int32) % (N_ACC - N - 1))])
    pad = E_PAD - E
    src_p = jnp.concatenate(
        [src, jnp.arange(pad, dtype=jnp.int32) % N]).reshape(E_PAD // C, 1, C)
    dst_p = jnp.concatenate(
        [dst, N + (jnp.arange(pad, dtype=jnp.int32) % (N_ACC - N - 1))]
    ).reshape(E_PAD // C, 1, C)

    ones_c = jnp.ones((C,), jnp.float32)
    zeros_1d = jnp.zeros((ROWS_T,), jnp.float32)
    zeros_2d = jnp.zeros((ROWS_T, D), jnp.float32)

    _deg_sc, _agg_sc, _sagg_sc = _sc_kernels()

    degp = _deg_sc(dst_p, ones_c, zeros_1d)
    dp0 = degp[0, :N, None]
    dp1 = degp[1, :N, None]

    y, d = _yd_tc(x, W1, dp0, dp1)

    accp = _agg_sc(y, src_f, dst_f, zeros_2d)

    y2 = _h_tc(accp[0, :N], accp[1, :N], y, d,
               b1.reshape(1, D), W2, lin_W)

    y2_p = jnp.zeros((N_ACC,), jnp.float32).at[:N].set(y2.reshape(N))
    acc2p = _sagg_sc(y2_p, src_p, dst_p, zeros_1d)

    out = _pool_tc(acc2p[0, :N, None], acc2p[1, :N, None], y2, d,
                   batch.astype(jnp.int32).reshape(N, 1),
                   b2.reshape(1, D), lin_W, lin_b.reshape(1, 1))
    return out.reshape(G)

# --- scband reference (transcript-rebuilt; emitter-appended) ---
"""Pipeline reference for scband-gcnmodel-14422500180489 (READ-ONLY COPY).

The authoritative reference and input builder live on the scoring server;
editing this copy changes nothing except your own understanding.
"""

import jax, jax.numpy as jnp
import numpy as np

N_NODES = 10000
N_EDGES = 320000
D_FEAT = 128
HIDDEN = 128
N_GRAPHS = 256


def setup_inputs(seed: int = 0) -> dict:
    key = jax.random.key(seed)
    k_x, k_ei, k_b, k_w1, k_b1, k_w2, k_b2, k_lw, k_lb = jax.random.split(key, 9)
    x = jax.random.normal(k_x, (N_NODES, D_FEAT), dtype=jnp.float32)
    edge_index = jax.random.randint(k_ei, (2, N_EDGES), 0, N_NODES, dtype=jnp.int64)
    batch = jnp.sort(jax.random.randint(k_b, (N_NODES,), 0, N_GRAPHS, dtype=jnp.int64))
    s1 = 1.0 / np.sqrt(D_FEAT)
    s2 = 1.0 / np.sqrt(HIDDEN)
    W1 = jax.random.uniform(k_w1, (D_FEAT, HIDDEN), jnp.float32, -s1, s1)
    b1 = jax.random.uniform(k_b1, (HIDDEN,), jnp.float32, -s1, s1)
    W2 = jax.random.uniform(k_w2, (HIDDEN, HIDDEN), jnp.float32, -s2, s2)
    b2 = jax.random.uniform(k_b2, (HIDDEN,), jnp.float32, -s2, s2)
    lin_W = jax.random.uniform(k_lw, (HIDDEN, 1), jnp.float32, -s2, s2)
    lin_b = jax.random.uniform(k_lb, (1,), jnp.float32, -s2, s2)
    return {"x": x, "edge_index": edge_index, "batch": batch,
            "W1": W1, "b1": b1, "W2": W2, "b2": b2,
            "lin_W": lin_W, "lin_b": lin_b}


def _gcn_conv(x, edge_index, W, b):
    num_nodes = x.shape[0]
    loop = jnp.arange(num_nodes, dtype=edge_index.dtype)
    src = jnp.concatenate([edge_index[0], loop])
    dst = jnp.concatenate([edge_index[1], loop])
    deg = jnp.zeros((num_nodes,), dtype=x.dtype).at[dst].add(1.0)
    deg_inv_sqrt = jnp.where(deg > 0, deg ** -0.5, 0.0)
    norm = deg_inv_sqrt[src] * deg_inv_sqrt[dst]
    xw = x @ W
    msg = xw[src] * norm[:, None]
    out = jnp.zeros((num_nodes, W.shape[1]), dtype=x.dtype).at[dst].add(msg)
    return out + b


def _global_mean_pool(x, batch, num_graphs):
    sums = jax.ops.segment_sum(x, batch, num_segments=num_graphs)
    counts = jax.ops.segment_sum(jnp.ones((x.shape[0],), dtype=x.dtype), batch, num_segments=num_graphs)
    return sums / jnp.clip(counts, 1.0)[:, None]


def reference(x, edge_index, batch, W1, b1, W2, b2, lin_W, lin_b):
    h = _gcn_conv(x, edge_index, W1, b1)
    h = jax.nn.relu(h)
    h = _gcn_conv(h, edge_index, W2, b2)
    g = _global_mean_pool(h, batch, N_GRAPHS)
    out = g @ lin_W + lin_b
    return jnp.squeeze(out, axis=-1)

if __name__ == "__main__":
    import jax
    _d = setup_inputs()
    print(jax.jit(kernel)(*tuple(_d.values())))

</pallas_src>

<mosaic_0001>
#map = affine_map<(d0, d1) -> (0, 0)>
#map1 = affine_map<(d0, d1) -> (0)>
#map2 = affine_map<(d0, d1) -> (0, 0, 0)>
module attributes {stable_mosaic.version = 14 : i64} {
  func.func @_agg_body(%arg0: i32, %arg1: i32, %arg2: memref<10000x128xf32, #tpu.memory_space<hbm>>, %arg3: memref<322560xi32, #tpu.memory_space<hbm>>, %arg4: memref<322560xi32, #tpu.memory_space<hbm>>, %arg5: memref<640x128xf32, #tpu.memory_space<hbm>>, %arg6: memref<2x10240x128xf32, #tpu.memory_space<hbm>>, %arg7: memref<120xi32, #tpu.memory_space<vmem>>, %arg8: memref<120xi32, #tpu.memory_space<vmem>>, %arg9: memref<120xi32, #tpu.memory_space<vmem>>, %arg10: memref<120xi32, #tpu.memory_space<vmem>>, %arg11: memref<120xi32, #tpu.memory_space<vmem>>, %arg12: memref<120xi32, #tpu.memory_space<vmem>>, %arg13: memref<120x128xf32, #tpu.memory_space<vmem>>, %arg14: memref<120x128xf32, #tpu.memory_space<vmem>>, %arg15: memref<120x128xf32, #tpu.memory_space<vmem>>, %arg16: memref<!tpu.dma_semaphore, #tpu.memory_space<semaphore_mem>>, %arg17: memref<!tpu.dma_semaphore, #tpu.memory_space<semaphore_mem>>, %arg18: memref<!tpu.dma_semaphore, #tpu.memory_space<semaphore_mem>>, %arg19: memref<!tpu.dma_semaphore, #tpu.memory_space<semaphore_mem>>, %arg20: memref<!tpu.dma_semaphore, #tpu.memory_space<semaphore_mem>>, %arg21: memref<!tpu.dma_semaphore, #tpu.memory_space<semaphore_mem>>, %arg22: memref<!tpu.dma_semaphore, #tpu.memory_space<semaphore_mem>>, %arg23: memref<!tpu.dma_semaphore, #tpu.memory_space<semaphore_mem>>, %arg24: memref<!tpu.dma_semaphore, #tpu.memory_space<semaphore_mem>>, %arg25: memref<!tpu.dma_semaphore, #tpu.memory_space<semaphore_mem>>, %arg26: memref<!tpu.dma_semaphore, #tpu.memory_space<semaphore_mem>>, %arg27: memref<!tpu.dma_semaphore, #tpu.memory_space<semaphore_mem>>, %arg28: memref<10240x128xf32, #tpu.memory_space<vmem_shared>>) attributes {dimension_semantics = [#tpu.dimension_semantics<core_parallel>, #tpu.dimension_semantics<subcore_parallel>], iteration_bounds = array<i64: 2, 16>, scalar_prefetch = 0 : i64, scratch_operands = 22 : i64, tpu.core_type = #tpu.core_type<sc_vector_subcore>, window_params = [{transform_indices = #map}, {transform_indices = #map1}, {transform_indices = #map1}, {transform_indices = #map}, {transform_indices = #map2}]} {
    %mul3A = arith.constant 2 : i32
    %mul3A_0 = arith.muli %arg1, %mul3A : i32
    %add3A = arith.addi %mul3A_0, %arg0 : i32
    %mul3A_1 = arith.constant 640 : i32
    %mul3A_2 = arith.muli %arg1, %mul3A_1 : i32
    "tpu.region"() ({
      %run_scoped3A = tpu.sem_alloc : memref<!tpu.dma_semaphore, #tpu.memory_space<semaphore_mem>>
      %dma_start3A_48 = arith.constant 0 : i32
      %dma_start3A_49 = tpu.memref_slice %arg28[%mul3A_2, %dma_start3A_48] : memref<10240x128xf32, #tpu.memory_space<vmem_shared>> -> memref<640x128xf32, #tpu.memory_space<vmem_shared>>
      tpu.enqueue_dma source(%arg5 : memref<640x128xf32, #tpu.memory_space<hbm>>) target(%dma_start3A_49 : memref<640x128xf32, #tpu.memory_space<vmem_shared>>) target_semaphore(%run_scoped3A : memref<!tpu.dma_semaphore, #tpu.memory_space<semaphore_mem>>)
      %dma_wait3A_50 = arith.constant 0 : i32
      %dma_wait3A_51 = tpu.memref_slice %arg28[%mul3A_2, %dma_wait3A_50] : memref<10240x128xf32, #tpu.memory_space<vmem_shared>> -> memref<640x128xf32, #tpu.memory_space<vmem_shared>>
      tpu.wait_dma2 semaphore(%run_scoped3A : memref<!tpu.dma_semaphore, #tpu.memory_space<semaphore_mem>>) src(%arg5 : memref<640x128xf32, #tpu.memory_space<hbm>>) dst(%dma_wait3A_51 : memref<640x128xf32, #tpu.memory_space<vmem_shared>>)
      tpu.yield
    }) : () -> ()
    %barrier3A = arith.constant 0 : index
    tpu.barrier barrier_id(%barrier3A)
    %mul3A_3 = arith.constant 10080 : i32
    %mul3A_4 = arith.muli %add3A, %mul3A_3 : i32
    %dma_start3A = tpu.memref_slice %arg3[%mul3A_4] : memref<322560xi32, #tpu.memory_space<hbm>> -> memref<120xi32, #tpu.memory_space<hbm>>
    %dma_start3A_5 = tpu.memref_slice %arg3[%mul3A_4] : memref<322560xi32, #tpu.memory_space<hbm>> -> memref<120xi32, #tpu.memory_space<hbm>>
    tpu.enqueue_dma source(%dma_start3A_5 : memref<120xi32, #tpu.memory_space<hbm>>) target(%arg7 : memref<120xi32, #tpu.memory_space<vmem>>) target_semaphore(%arg22 : memref<!tpu.dma_semaphore, #tpu.memory_space<semaphore_mem>>)
    %dma_start3A_6 = tpu.memref_slice %arg4[%mul3A_4] : memref<322560xi32, #tpu.memory_space<hbm>> -> memref<120xi32, #tpu.memory_space<hbm>>
    %dma_start3A_7 = tpu.memref_slice %arg4[%mul3A_4] : memref<322560xi32, #tpu.memory_space<hbm>> -> memref<120xi32, #tpu.memory_space<hbm>>
    tpu.enqueue_dma source(%dma_start3A_7 : memref<120xi32, #tpu.memory_space<hbm>>) target(%arg10 : memref<120xi32, #tpu.memory_space<vmem>>) target_semaphore(%arg25 : memref<!tpu.dma_semaphore, #tpu.memory_space<semaphore_mem>>)
    %add3A_8 = arith.constant 120 : i32
    %add3A_9 = arith.addi %mul3A_4, %add3A_8 : i32
    %dma_start3A_10 = tpu.memref_slice %arg3[%add3A_9] : memref<322560xi32, #tpu.memory_space<hbm>> -> memref<120xi32, #tpu.memory_space<hbm>>
    %dma_start3A_11 = tpu.memref_slice %arg3[%add3A_9] : memref<322560xi32, #tpu.memory_space<hbm>> -> memref<120xi32, #tpu.memory_space<hbm>>
    tpu.enqueue_dma source(%dma_start3A_11 : memref<120xi32, #tpu.memory_space<hbm>>) target(%arg8 : memref<120xi32, #tpu.memory_space<vmem>>) target_semaphore(%arg23 : memref<!tpu.dma_semaphore, #tpu.memory_space<semaphore_mem>>)
    %add3A_12 = arith.constant 120 : i32
    %add3A_13 = arith.addi %mul3A_4, %add3A_12 : i32
    %dma_start3A_14 = tpu.memref_slice %arg4[%add3A_13] : memref<322560xi32, #tpu.memory_space<hbm>> -> memref<120xi32, #tpu.memory_space<hbm>>
    %dma_start3A_15 = tpu.memref_slice %arg4[%add3A_13] : memref<322560xi32, #tpu.memory_space<hbm>> -> memref<120xi32, #tpu.memory_space<hbm>>
    tpu.enqueue_dma source(%dma_start3A_15 : memref<120xi32, #tpu.memory_space<hbm>>) target(%arg11 : memref<120xi32, #tpu.memory_space<vmem>>) target_semaphore(%arg26 : memref<!tpu.dma_semaphore, #tpu.memory_space<semaphore_mem>>)
    %add3A_16 = arith.constant 240 : i32
    %add3A_17 = arith.addi %mul3A_4, %add3A_16 : i32
    %dma_start3A_18 = tpu.memref_slice %arg3[%add3A_17] : memref<322560xi32, #tpu.memory_space<hbm>> -> memref<120xi32, #tpu.memory_space<hbm>>
    %dma_start3A_19 = tpu.memref_slice %arg3[%add3A_17] : memref<322560xi32, #tpu.memory_space<hbm>> -> memref<120xi32, #tpu.memory_space<hbm>>
    tpu.enqueue_dma source(%dma_start3A_19 : memref<120xi32, #tpu.memory_space<hbm>>) target(%arg9 : memref<120xi32, #tpu.memory_space<vmem>>) target_semaphore(%arg24 : memref<!tpu.dma_semaphore, #tpu.memory_space<semaphore_mem>>)
    %add3A_20 = arith.constant 240 : i32
    %add3A_21 = arith.addi %mul3A_4, %add3A_20 : i32
    %dma_start3A_22 = tpu.memref_slice %arg4[%add3A_21] : memref<322560xi32, #tpu.memory_space<hbm>> -> memref<120xi32, #tpu.memory_space<hbm>>
    %dma_start3A_23 = tpu.memref_slice %arg4[%add3A_21] : memref<322560xi32, #tpu.memory_space<hbm>> -> memref<120xi32, #tpu.memory_space<hbm>>
    tpu.enqueue_dma source(%dma_start3A_23 : memref<120xi32, #tpu.memory_space<hbm>>) target(%arg12 : memref<120xi32, #tpu.memory_space<vmem>>) target_semaphore(%arg27 : memref<!tpu.dma_semaphore, #tpu.memory_space<semaphore_mem>>)
    %dma_wait3A = tpu.memref_slice %arg3[%mul3A_4] : memref<322560xi32, #tpu.memory_space<hbm>> -> memref<120xi32, #tpu.memory_space<hbm>>
    %dma_wait3A_24 = tpu.memref_slice %arg3[%mul3A_4] : memref<322560xi32, #tpu.memory_space<hbm>> -> memref<120xi32, #tpu.memory_space<hbm>>
    tpu.wait_dma2 semaphore(%arg22 : memref<!tpu.dma_semaphore, #tpu.memory_space<semaphore_mem>>) src(%dma_wait3A_24 : memref<120xi32, #tpu.memory_space<hbm>>) dst(%arg7 : memref<120xi32, #tpu.memory_space<vmem>>)
    %dma_start3A_25 = arith.constant 0 : i32
    %dma_start3A_26 = arith.constant 0 : i32
    %dma_start3A_27 = tpu.memref_slice %arg2[%dma_start3A_25, %dma_start3A_26] : memref<10000x128xf32, #tpu.memory_space<hbm>> -> memref<10000x128xf32, #tpu.memory_space<hbm>>
    tpu.enqueue_indirect_dma source(%dma_start3A_27 : memref<10000x128xf32, #tpu.memory_space<hbm>>) target(%arg13 : memref<120x128xf32, #tpu.memory_space<vmem>>) offsets(%arg7 : memref<120xi32, #tpu.memory_space<vmem>>) semaphore(%arg16 : memref<!tpu.dma_semaphore, #tpu.memory_space<semaphore_mem>>)
    %dma_wait3A_28 = tpu.memref_slice %arg3[%mul3A_4] : memref<322560xi32, #tpu.memory_space<hbm>> -> memref<120xi32, #tpu.memory_space<hbm>>
    %dma_wait3A_29 = tpu.memref_slice %arg3[%mul3A_4] : memref<322560xi32, #tpu.memory_space<hbm>> -> memref<120xi32, #tpu.memory_space<hbm>>
    tpu.wait_dma2 semaphore(%arg23 : memref<!tpu.dma_semaphore, #tpu.memory_space<semaphore_mem>>) src(%dma_wait3A_29 : memref<120xi32, #tpu.memory_space<hbm>>) dst(%arg8 : memref<120xi32, #tpu.memory_space<vmem>>)
    %dma_start3A_30 = arith.constant 0 : i32
    %dma_start3A_31 = arith.constant 0 : i32
    %dma_start3A_32 = tpu.memref_slice %arg2[%dma_start3A_30, %dma_start3A_31] : memref<10000x128xf32, #tpu.memory_space<hbm>> -> memref<10000x128xf32, #tpu.memory_space<hbm>>
    tpu.enqueue_indirect_dma source(%dma_start3A_32 : memref<10000x128xf32, #tpu.memory_space<hbm>>) target(%arg14 : memref<120x128xf32, #tpu.memory_space<vmem>>) offsets(%arg8 : memref<120xi32, #tpu.memory_space<vmem>>) semaphore(%arg17 : memref<!tpu.dma_semaphore, #tpu.memory_space<semaphore_mem>>)
    %dma_wait3A_33 = tpu.memref_slice %arg3[%mul3A_4] : memref<322560xi32, #tpu.memory_space<hbm>> -> memref<120xi32, #tpu.memory_space<hbm>>
    %dma_wait3A_34 = tpu.memref_slice %arg3[%mul3A_4] : memref<322560xi32, #tpu.memory_space<hbm>> -> memref<120xi32, #tpu.memory_space<hbm>>
    tpu.wait_dma2 semaphore(%arg24 : memref<!tpu.dma_semaphore, #tpu.memory_space<semaphore_mem>>) src(%dma_wait3A_34 : memref<120xi32, #tpu.memory_space<hbm>>) dst(%arg9 : memref<120xi32, #tpu.memory_space<vmem>>)
    %dma_start3A_35 = arith.constant 0 : i32
    %dma_start3A_36 = arith.constant 0 : i32
    %dma_start3A_37 = tpu.memref_slice %arg2[%dma_start3A_35, %dma_start3A_36] : memref<10000x128xf32, #tpu.memory_space<hbm>> -> memref<10000x128xf32, #tpu.memory_space<hbm>>
    tpu.enqueue_indirect_dma source(%dma_start3A_37 : memref<10000x128xf32, #tpu.memory_space<hbm>>) target(%arg15 : memref<120x128xf32, #tpu.memory_space<vmem>>) offsets(%arg9 : memref<120xi32, #tpu.memory_space<vmem>>) semaphore(%arg18 : memref<!tpu.dma_semaphore, #tpu.memory_space<semaphore_mem>>)
    %scan3A = arith.constant 0 : i32
    %scan3A_38 = arith.constant 0 : i32
    %scan3A_39 = arith.constant 28 : i32
    %scan3A_40 = arith.addi %scan3A_38, %scan3A_39 : i32
    %scan3A_41 = arith.constant 1 : i32
    scf.for %scan3A_48 = %scan3A_38 to %scan3A_40 step %scan3A_41  : i32 {
      %mul3A_49 = arith.constant 3 : i32
      %mul3A_50 = arith.muli %mul3A_49, %scan3A_48 : i32
      %dma_wait3A_51 = arith.constant 0 : i32
      %dma_wait3A_52 = arith.constant 0 : i32
      %dma_wait3A_53 = tpu.memref_slice %arg2[%dma_wait3A_51, %dma_wait3A_52] : memref<10000x128xf32, #tpu.memory_space<hbm>> -> memref<10000x128xf32, #tpu.memory_space<hbm>>
      tpu.wait_indirect_dma semaphore(%arg16 : memref<!tpu.dma_semaphore, #tpu.memory_space<semaphore_mem>>) src(%dma_wait3A_53 : memref<10000x128xf32, #tpu.memory_space<hbm>>) dst(%arg13 : memref<120x128xf32, #tpu.memory_space<vmem>>)
      %dma_wait3A_54 = tpu.memref_slice %arg4[%mul3A_4] : memref<322560xi32, #tpu.memory_space<hbm>> -> memref<120xi32, #tpu.memory_space<hbm>>
      %dma_wait3A_55 = tpu.memref_slice %arg4[%mul3A_4] : memref<322560xi32, #tpu.memory_space<hbm>> -> memref<120xi32, #tpu.memory_space<hbm>>
      tpu.wait_dma2 semaphore(%arg25 : memref<!tpu.dma_semaphore, #tpu.memory_space<semaphore_mem>>) src(%dma_wait3A_55 : memref<120xi32, #tpu.memory_space<hbm>>) dst(%arg10 : memref<120xi32, #tpu.memory_space<vmem>>)
      %dma_start3A_56 = arith.constant 0 : i32
      %dma_start3A_57 = arith.constant 0 : i32
      %dma_start3A_58 = tpu.memref_slice %arg28[%dma_start3A_56, %dma_start3A_57] : memref<10240x128xf32, #tpu.memory_space<vmem_shared>> -> memref<10240x128xf32, #tpu.memory_space<vmem_shared>>
      tpu.enqueue_indirect_dma source(%arg13 : memref<120x128xf32, #tpu.memory_space<vmem>>) target(%dma_start3A_58 : memref<10240x128xf32, #tpu.memory_space<vmem_shared>>) offsets(%arg10 : memref<120xi32, #tpu.memory_space<vmem>>) semaphore(%arg19 : memref<!tpu.dma_semaphore, #tpu.memory_space<semaphore_mem>>) {add = true}
      %dma_wait3A_59 = arith.constant 0 : i32
      %dma_wait3A_60 = arith.constant 0 : i32
      %dma_wait3A_61 = tpu.memref_slice %arg28[%dma_wait3A_59, %dma_wait3A_60] : memref<10240x128xf32, #tpu.memory_space<vmem_shared>> -> memref<10240x128xf32, #tpu.memory_space<vmem_shared>>
      tpu.wait_indirect_dma semaphore(%arg19 : memref<!tpu.dma_semaphore, #tpu.memory_space<semaphore_mem>>) src(%arg13 : memref<120x128xf32, #tpu.memory_space<vmem>>) dst(%dma_wait3A_61 : memref<10240x128xf32, #tpu.memory_space<vmem_shared>>)
      %dma_wait3A_62 = arith.constant 0 : i32
      %dma_wait3A_63 = arith.constant 0 : i32
      %dma_wait3A_64 = tpu.memref_slice %arg2[%dma_wait3A_62, %dma_wait3A_63] : memref<10000x128xf32, #tpu.memory_space<hbm>> -> memref<10000x128xf32, #tpu.memory_space<hbm>>
      tpu.wait_indirect_dma semaphore(%arg17 : memref<!tpu.dma_semaphore, #tpu.memory_space<semaphore_mem>>) src(%dma_wait3A_64 : memref<10000x128xf32, #tpu.memory_space<hbm>>) dst(%arg14 : memref<120x128xf32, #tpu.memory_space<vmem>>)
      %dma_wait3A_65 = tpu.memref_slice %arg4[%mul3A_4] : memref<322560xi32, #tpu.memory_space<hbm>> -> memref<120xi32, #tpu.memory_space<hbm>>
      %dma_wait3A_66 = tpu.memref_slice %arg4[%mul3A_4] : memref<322560xi32, #tpu.memory_space<hbm>> -> memref<120xi32, #tpu.memory_space<hbm>>
      tpu.wait_dma2 semaphore(%arg26 : memref<!tpu.dma_semaphore, #tpu.memory_space<semaphore_mem>>) src(%dma_wait3A_66 : memref<120xi32, #tpu.memory_space<hbm>>) dst(%arg11 : memref<120xi32, #tpu.memory_space<vmem>>)
      %dma_start3A_67 = arith.constant 0 : i32
      %dma_start3A_68 = arith.constant 0 : i32
      %dma_start3A_69 = tpu.memref_slice %arg28[%dma_start3A_67, %dma_start3A_68] : memref<10240x128xf32, #tpu.memory_space<vmem_shared>> -> memref<10240x128xf32, #tpu.memory_space<vmem_shared>>
      tpu.enqueue_indirect_dma source(%arg14 : memref<120x128xf32, #tpu.memory_space<vmem>>) target(%dma_start3A_69 : memref<10240x128xf32, #tpu.memory_space<vmem_shared>>) offsets(%arg11 : memref<120xi32, #tpu.memory_space<vmem>>) semaphore(%arg20 : memref<!tpu.dma_semaphore, #tpu.memory_space<semaphore_mem>>) {add = true}
      %dma_wait3A_70 = arith.constant 0 : i32
      %dma_wait3A_71 = arith.constant 0 : i32
      %dma_wait3A_72 = tpu.memref_slice %arg28[%dma_wait3A_70, %dma_wait3A_71] : memref<10240x128xf32, #tpu.memory_space<vmem_shared>> -> memref<10240x128xf32, #tpu.memory_space<vmem_shared>>
      tpu.wait_indirect_dma semaphore(%arg20 : memref<!tpu.dma_semaphore, #tpu.memory_space<semaphore_mem>>) src(%arg14 : memref<120x128xf32, #tpu.memory_space<vmem>>) dst(%dma_wait3A_72 : memref<10240x128xf32, #tpu.memory_space<vmem_shared>>)
      %dma_wait3A_73 = arith.constant 0 : i32
      %dma_wait3A_74 = arith.constant 0 : i32
      %dma_wait3A_75 = tpu.memref_slice %arg2[%dma_wait3A_73, %dma_wait3A_74] : memref<10000x128xf32, #tpu.memory_space<hbm>> -> memref<10000x128xf32, #tpu.memory_space<hbm>>
      tpu.wait_indirect_dma semaphore(%arg18 : memref<!tpu.dma_semaphore, #tpu.memory_space<semaphore_mem>>) src(%dma_wait3A_75 : memref<10000x128xf32, #tpu.memory_space<hbm>>) dst(%arg15 : memref<120x128xf32, #tpu.memory_space<vmem>>)
      %dma_wait3A_76 = tpu.memref_slice %arg4[%mul3A_4] : memref<322560xi32, #tpu.memory_space<hbm>> -> memref<120xi32, #tpu.memory_space<hbm>>
      %dma_wait3A_77 = tpu.memref_slice %arg4[%mul3A_4] : memref<322560xi32, #tpu.memory_space<hbm>> -> memref<120xi32, #tpu.memory_space<hbm>>
      tpu.wait_dma2 semaphore(%arg27 : memref<!tpu.dma_semaphore, #tpu.memory_space<semaphore_mem>>) src(%dma_wait3A_77 : memref<120xi32, #tpu.memory_space<hbm>>) dst(%arg12 : memref<120xi32, #tpu.memory_space<vmem>>)
      %dma_start3A_78 = arith.constant 0 : i32
      %dma_start3A_79 = arith.constant 0 : i32
      %dma_start3A_80 = tpu.memref_slice %arg28[%dma_start3A_78, %dma_start3A_79] : memref<10240x128xf32, #tpu.memory_space<vmem_shared>> -> memref<10240x128xf32, #tpu.memory_space<vmem_shared>>
      tpu.enqueue_indirect_dma source(%arg15 : memref<120x128xf32, #tpu.memory_space<vmem>>) target(%dma_start3A_80 : memref<10240x128xf32, #tpu.memory_space<vmem_shared>>) offsets(%arg12 : memref<120xi32, #tpu.memory_space<vmem>>) semaphore(%arg21 : memref<!tpu.dma_semaphore, #tpu.memory_space<semaphore_mem>>) {add = true}
      %dma_wait3A_81 = arith.constant 0 : i32
      %dma_wait3A_82 = arith.constant 0 : i32
      %dma_wait3A_83 = tpu.memref_slice %arg28[%dma_wait3A_81, %dma_wait3A_82] : memref<10240x128xf32, #tpu.memory_space<vmem_shared>> -> memref<10240x128xf32, #tpu.memory_space<vmem_shared>>
      tpu.wait_indirect_dma semaphore(%arg21 : memref<!tpu.dma_semaphore, #tpu.memory_space<semaphore_mem>>) src(%arg15 : memref<120x128xf32, #tpu.memory_space<vmem>>) dst(%dma_wait3A_83 : memref<10240x128xf32, #tpu.memory_space<vmem_shared>>)
      %add3A_84 = arith.constant 0 : i32
      %add3A_85 = arith.addi %mul3A_50, %add3A_84 : i32
      %add3A_86 = arith.constant 3 : i32
      %add3A_87 = arith.addi %add3A_85, %add3A_86 : i32
      %le3A = arith.constant 83 : i32
      %le3A_88 = arith.cmpi sle, %add3A_87, %le3A : i32
      %convert_element_type3A = arith.extui %le3A_88 : i1 to i32
      %cond3A = arith.constant 0 : i32
      %cond3A_89 = arith.cmpi ne, %convert_element_type3A, %cond3A : i32
      scf.if %cond3A_89 {
        %add3A_108 = arith.constant 0 : i32
        %add3A_109 = arith.addi %mul3A_50, %add3A_108 : i32
        %add3A_110 = arith.constant 3 : i32
        %add3A_111 = arith.addi %add3A_109, %add3A_110 : i32
        %mul3A_112 = arith.constant 120 : i32
        %mul3A_113 = arith.muli %add3A_111, %mul3A_112 : i32
        %add3A_114 = arith.addi %mul3A_4, %mul3A_113 : i32
        %dma_start3A_115 = tpu.memref_slice %arg3[%add3A_114] : memref<322560xi32, #tpu.memory_space<hbm>> -> memref<120xi32, #tpu.memory_space<hbm>>
        %dma_start3A_116 = tpu.memref_slice %arg3[%add3A_114] : memref<322560xi32, #tpu.memory_space<hbm>> -> memref<120xi32, #tpu.memory_space<hbm>>
        tpu.enqueue_dma source(%dma_start3A_116 : memref<120xi32, #tpu.memory_space<hbm>>) target(%arg7 : memref<120xi32, #tpu.memory_space<vmem>>) target_semaphore(%arg22 : memref<!tpu.dma_semaphore, #tpu.memory_space<semaphore_mem>>)
        %dma_start3A_117 = tpu.memref_slice %arg4[%add3A_114] : memref<322560xi32, #tpu.memory_space<hbm>> -> memref<120xi32, #tpu.memory_space<hbm>>
        %dma_start3A_118 = tpu.memref_slice %arg4[%add3A_114] : memref<322560xi32, #tpu.memory_space<hbm>> -> memref<120xi32, #tpu.memory_space<hbm>>
        tpu.enqueue_dma source(%dma_start3A_118 : memref<120xi32, #tpu.memory_space<hbm>>) target(%arg10 : memref<120xi32, #tpu.memory_space<vmem>>) target_semaphore(%arg25 : memref<!tpu.dma_semaphore, #tpu.memory_space<semaphore_mem>>)
        %dma_wait3A_119 = tpu.memref_slice %arg3[%mul3A_4] : memref<322560xi32, #tpu.memory_space<hbm>> -> memref<120xi32, #tpu.memory_space<hbm>>
        %dma_wait3A_120 = tpu.memref_slice %arg3[%mul3A_4] : memref<322560xi32, #tpu.memory_space<hbm>> -> memref<120xi32, #tpu.memory_space<hbm>>
        tpu.wait_dma2 semaphore(%arg22 : memref<!tpu.dma_semaphore, #tpu.memory_space<semaphore_mem>>) src(%dma_wait3A_120 : memref<120xi32, #tpu.memory_space<hbm>>) dst(%arg7 : memref<120xi32, #tpu.memory_space<vmem>>)
        %dma_start3A_121 = arith.constant 0 : i32
        %dma_start3A_122 = arith.constant 0 : i32
        %dma_start3A_123 = tpu.memref_slice %arg2[%dma_start3A_121, %dma_start3A_122] : memref<10000x128xf32, #tpu.memory_space<hbm>> -> memref<10000x128xf32, #tpu.memory_space<hbm>>
        tpu.enqueue_indirect_dma source(%dma_start3A_123 : memref<10000x128xf32, #tpu.memory_space<hbm>>) target(%arg13 : memref<120x128xf32, #tpu.memory_space<vmem>>) offsets(%arg7 : memref<120xi32, #tpu.memory_space<vmem>>) semaphore(%arg16 : memref<!tpu.dma_semaphore, #tpu.memory_space<semaphore_mem>>)
      } else {
      }
      %add3A_90 = arith.constant 1 : i32
      %add3A_91 = arith.addi %mul3A_50, %add3A_90 : i32
      %add3A_92 = arith.constant 3 : i32
      %add3A_93 = arith.addi %add3A_91, %add3A_92 : i32
      %le3A_94 = arith.constant 83 : i32
      %le3A_95 = arith.cmpi sle, %add3A_93, %le3A_94 : i32
      %convert_element_type3A_96 = arith.extui %le3A_95 : i1 to i32
      %cond3A_97 = arith.constant 0 : i32
      %cond3A_98 = arith.cmpi ne, %convert_element_type3A_96, %cond3A_97 : i32
      scf.if %cond3A_98 {
        %add3A_108 = arith.constant 1 : i32
        %add3A_109 = arith.addi %mul3A_50, %add3A_108 : i32
        %add3A_110 = arith.constant 3 : i32
        %add3A_111 = arith.addi %add3A_109, %add3A_110 : i32
        %mul3A_112 = arith.constant 120 : i32
        %mul3A_113 = arith.muli %add3A_111, %mul3A_112 : i32
        %add3A_114 = arith.addi %mul3A_4, %mul3A_113 : i32
        %dma_start3A_115 = tpu.memref_slice %arg3[%add3A_114] : memref<322560xi32, #tpu.memory_space<hbm>> -> memref<120xi32, #tpu.memory_space<hbm>>
        %dma_start3A_116 = tpu.memref_slice %arg3[%add3A_114] : memref<322560xi32, #tpu.memory_space<hbm>> -> memref<120xi32, #tpu.memory_space<hbm>>
        tpu.enqueue_dma source(%dma_start3A_116 : memref<120xi32, #tpu.memory_space<hbm>>) target(%arg8 : memref<120xi32, #tpu.memory_space<vmem>>) target_semaphore(%arg23 : memref<!tpu.dma_semaphore, #tpu.memory_space<semaphore_mem>>)
        %dma_start3A_117 = tpu.memref_slice %arg4[%add3A_114] : memref<322560xi32, #tpu.memory_space<hbm>> -> memref<120xi32, #tpu.memory_space<hbm>>
        %dma_start3A_118 = tpu.memref_slice %arg4[%add3A_114] : memref<322560xi32, #tpu.memory_space<hbm>> -> memref<120xi32, #tpu.memory_space<hbm>>
        tpu.enqueue_dma source(%dma_start3A_118 : memref<120xi32, #tpu.memory_space<hbm>>) target(%arg11 : memref<120xi32, #tpu.memory_space<vmem>>) target_semaphore(%arg26 : memref<!tpu.dma_semaphore, #tpu.memory_space<semaphore_mem>>)
        %dma_wait3A_119 = tpu.memref_slice %arg3[%mul3A_4] : memref<322560xi32, #tpu.memory_space<hbm>> -> memref<120xi32, #tpu.memory_space<hbm>>
        %dma_wait3A_120 = tpu.memref_slice %arg3[%mul3A_4] : memref<322560xi32, #tpu.memory_space<hbm>> -> memref<120xi32, #tpu.memory_space<hbm>>
        tpu.wait_dma2 semaphore(%arg23 : memref<!tpu.dma_semaphore, #tpu.memory_space<semaphore_mem>>) src(%dma_wait3A_120 : memref<120xi32, #tpu.memory_space<hbm>>) dst(%arg8 : memref<120xi32, #tpu.memory_space<vmem>>)
        %dma_start3A_121 = arith.constant 0 : i32
        %dma_start3A_122 = arith.constant 0 : i32
        %dma_start3A_123 = tpu.memref_slice %arg2[%dma_start3A_121, %dma_start3A_122] : memref<10000x128xf32, #tpu.memory_space<hbm>> -> memref<10000x128xf32, #tpu.memory_space<hbm>>
        tpu.enqueue_indirect_dma source(%dma_start3A_123 : memref<10000x128xf32, #tpu.memory_space<hbm>>) target(%arg14 : memref<120x128xf32, #tpu.memory_space<vmem>>) offsets(%arg8 : memref<120xi32, #tpu.memory_space<vmem>>) semaphore(%arg17 : memref<!tpu.dma_semaphore, #tpu.memory_space<semaphore_mem>>)
      } else {
      }
      %add3A_99 = arith.constant 2 : i32
      %add3A_100 = arith.addi %mul3A_50, %add3A_99 : i32
      %add3A_101 = arith.constant 3 : i32
      %add3A_102 = arith.addi %add3A_100, %add3A_101 : i32
      %le3A_103 = arith.constant 83 : i32
      %le3A_104 = arith.cmpi sle, %add3A_102, %le3A_103 : i32
      %convert_element_type3A_105 = arith.extui %le3A_104 : i1 to i32
      %cond3A_106 = arith.constant 0 : i32
      %cond3A_107 = arith.cmpi ne, %convert_element_type3A_105, %cond3A_106 : i32
      scf.if %cond3A_107 {
        %add3A_108 = arith.constant 2 : i32
        %add3A_109 = arith.addi %mul3A_50, %add3A_108 : i32
        %add3A_110 = arith.constant 3 : i32
        %add3A_111 = arith.addi %add3A_109, %add3A_110 : i32
        %mul3A_112 = arith.constant 120 : i32
        %mul3A_113 = arith.muli %add3A_111, %mul3A_112 : i32
        %add3A_114 = arith.addi %mul3A_4, %mul3A_113 : i32
        %dma_start3A_115 = tpu.memref_slice %arg3[%add3A_114] : memref<322560xi32, #tpu.memory_space<hbm>> -> memref<120xi32, #tpu.memory_space<hbm>>
        %dma_start3A_116 = tpu.memref_slice %arg3[%add3A_114] : memref<322560xi32, #tpu.memory_space<hbm>> -> memref<120xi32, #tpu.memory_space<hbm>>
        tpu.enqueue_dma source(%dma_start3A_116 : memref<120xi32, #tpu.memory_space<hbm>>) target(%arg9 : memref<120xi32, #tpu.memory_space<vmem>>) target_semaphore(%arg24 : memref<!tpu.dma_semaphore, #tpu.memory_space<semaphore_mem>>)
        %dma_start3A_117 = tpu.memref_slice %arg4[%add3A_114] : memref<322560xi32, #tpu.memory_space<hbm>> -> memref<120xi32, #tpu.memory_space<hbm>>
        %dma_start3A_118 = tpu.memref_slice %arg4[%add3A_114] : memref<322560xi32, #tpu.memory_space<hbm>> -> memref<120xi32, #tpu.memory_space<hbm>>
        tpu.enqueue_dma source(%dma_start3A_118 : memref<120xi32, #tpu.memory_space<hbm>>) target(%arg12 : memref<120xi32, #tpu.memory_space<vmem>>) target_semaphore(%arg27 : memref<!tpu.dma_semaphore, #tpu.memory_space<semaphore_mem>>)
        %dma_wait3A_119 = tpu.memref_slice %arg3[%mul3A_4] : memref<322560xi32, #tpu.memory_space<hbm>> -> memref<120xi32, #tpu.memory_space<hbm>>
        %dma_wait3A_120 = tpu.memref_slice %arg3[%mul3A_4] : memref<322560xi32, #tpu.memory_space<hbm>> -> memref<120xi32, #tpu.memory_space<hbm>>
        tpu.wait_dma2 semaphore(%arg24 : memref<!tpu.dma_semaphore, #tpu.memory_space<semaphore_mem>>) src(%dma_wait3A_120 : memref<120xi32, #tpu.memory_space<hbm>>) dst(%arg9 : memref<120xi32, #tpu.memory_space<vmem>>)
        %dma_start3A_121 = arith.constant 0 : i32
        %dma_start3A_122 = arith.constant 0 : i32
        %dma_start3A_123 = tpu.memref_slice %arg2[%dma_start3A_121, %dma_start3A_122] : memref<10000x128xf32, #tpu.memory_space<hbm>> -> memref<10000x128xf32, #tpu.memory_space<hbm>>
        tpu.enqueue_indirect_dma source(%dma_start3A_123 : memref<10000x128xf32, #tpu.memory_space<hbm>>) target(%arg15 : memref<120x128xf32, #tpu.memory_space<vmem>>) offsets(%arg9 : memref<120xi32, #tpu.memory_space<vmem>>) semaphore(%arg18 : memref<!tpu.dma_semaphore, #tpu.memory_space<semaphore_mem>>)
      } else {
      }
    }
    %scan3A_42 = arith.constant 28 : i32
    %barrier3A_43 = arith.constant 0 : index
    tpu.barrier barrier_id(%barrier3A_43)
    %mul3A_44 = arith.constant 640 : i32
    %mul3A_45 = arith.muli %arg1, %mul3A_44 : i32
    %mul3A_46 = arith.constant 640 : i32
    %mul3A_47 = arith.muli %arg1, %mul3A_46 : i32
    "tpu.region"() ({
      %run_scoped3A = tpu.sem_alloc : memref<!tpu.dma_semaphore, #tpu.memory_space<semaphore_mem>>
      %dma_start3A_48 = arith.constant 0 : i32
      %dma_start3A_49 = tpu.memref_slice %arg6[%arg0, %mul3A_47, %dma_start3A_48] : memref<2x10240x128xf32, #tpu.memory_space<hbm>> -> memref<1x640x128xf32, #tpu.memory_space<hbm>>
      %dma_start3A_50 = tpu.memref_squeeze %dma_start3A_49 : memref<1x640x128xf32, #tpu.memory_space<hbm>> -> memref<640x128xf32, #tpu.memory_space<hbm>>
      %dma_start3A_51 = arith.constant 0 : i32
      %dma_start3A_52 = tpu.memref_slice %arg28[%mul3A_45, %dma_start3A_51] : memref<10240x128xf32, #tpu.memory_space<vmem_shared>> -> memref<640x128xf32, #tpu.memory_space<vmem_shared>>
      tpu.enqueue_dma source(%dma_start3A_52 : memref<640x128xf32, #tpu.memory_space<vmem_shared>>) target(%dma_start3A_50 : memref<640x128xf32, #tpu.memory_space<hbm>>) target_semaphore(%run_scoped3A : memref<!tpu.dma_semaphore, #tpu.memory_space<semaphore_mem>>)
      %dma_wait3A_53 = arith.constant 0 : i32
      %dma_wait3A_54 = tpu.memref_slice %arg6[%arg0, %mul3A_47, %dma_wait3A_53] : memref<2x10240x128xf32, #tpu.memory_space<hbm>> -> memref<1x640x128xf32, #tpu.memory_space<hbm>>
      %dma_wait3A_55 = tpu.memref_squeeze %dma_wait3A_54 : memref<1x640x128xf32, #tpu.memory_space<hbm>> -> memref<640x128xf32, #tpu.memory_space<hbm>>
      %dma_wait3A_56 = arith.constant 0 : i32
      %dma_wait3A_57 = tpu.memref_slice %arg28[%mul3A_45, %dma_wait3A_56] : memref<10240x128xf32, #tpu.memory_space<vmem_shared>> -> memref<640x128xf32, #tpu.memory_space<vmem_shared>>
      tpu.wait_dma2 semaphore(%run_scoped3A : memref<!tpu.dma_semaphore, #tpu.memory_space<semaphore_mem>>) src(%dma_wait3A_57 : memref<640x128xf32, #tpu.memory_space<vmem_shared>>) dst(%dma_wait3A_55 : memref<640x128xf32, #tpu.memory_space<hbm>>)
      tpu.yield
    }) : () -> ()
    return
  }
}

#map = affine_map<(d0, d1) -> (0, 0, 0)>
#map1 = affine_map<(d0, d1) -> (0)>
#map2 = affine_map<(d0, d1) -> (0, 0)>
module attributes {stable_mosaic.version = 14 : i64} {
  func.func @_deg_body(%arg0: i32, %arg1: i32, %arg2: memref<2560x1x128xi32, #tpu.memory_space<hbm>>, %arg3: memref<128xf32, #tpu.memory_space<hbm>>, %arg4: memref<640xf32, #tpu.memory_space<hbm>>, %arg5: memref<2x10240xf32, #tpu.memory_space<hbm>>, %arg6: memref<80x1x128xi32, #tpu.memory_space<vmem>>, %arg7: memref<128xf32, #tpu.memory_space<vmem>>, %arg8: memref<!tpu.dma_semaphore, #tpu.memory_space<semaphore_mem>>, %arg9: memref<10240xf32, #tpu.memory_space<vmem_shared>>) attributes {dimension_semantics = [#tpu.dimension_semantics<core_parallel>, #tpu.dimension_semantics<subcore_parallel>], iteration_bounds = array<i64: 2, 16>, scalar_prefetch = 0 : i64, scratch_operands = 4 : i64, tpu.core_type = #tpu.core_type<sc_vector_subcore>, window_params = [{transform_indices = #map}, {transform_indices = #map1}, {transform_indices = #map1}, {transform_indices = #map2}]} {
    %mul3A = arith.constant 2 : i32
    %mul3A_0 = arith.muli %arg1, %mul3A : i32
    %add3A = arith.addi %mul3A_0, %arg0 : i32
    %mul3A_1 = arith.constant 640 : i32
    %mul3A_2 = arith.muli %arg1, %mul3A_1 : i32
    "tpu.region"() ({
      %run_scoped3A = tpu.sem_alloc : memref<!tpu.dma_semaphore, #tpu.memory_space<semaphore_mem>>
      %dma_start3A = tpu.memref_slice %arg9[%mul3A_2] : memref<10240xf32, #tpu.memory_space<vmem_shared>> -> memref<640xf32, #tpu.memory_space<vmem_shared>>
      tpu.enqueue_dma source(%arg4 : memref<640xf32, #tpu.memory_space<hbm>>) target(%dma_start3A : memref<640xf32, #tpu.memory_space<vmem_shared>>) target_semaphore(%run_scoped3A : memref<!tpu.dma_semaphore, #tpu.memory_space<semaphore_mem>>)
      %dma_wait3A = tpu.memref_slice %arg9[%mul3A_2] : memref<10240xf32, #tpu.memory_space<vmem_shared>> -> memref<640xf32, #tpu.memory_space<vmem_shared>>
      tpu.wait_dma2 semaphore(%run_scoped3A : memref<!tpu.dma_semaphore, #tpu.memory_space<semaphore_mem>>) src(%arg4 : memref<640xf32, #tpu.memory_space<hbm>>) dst(%dma_wait3A : memref<640xf32, #tpu.memory_space<vmem_shared>>)
      tpu.yield
    }) : () -> ()
    "tpu.region"() ({
      %run_scoped3A = tpu.sem_alloc : memref<!tpu.dma_semaphore, #tpu.memory_space<semaphore_mem>>
      tpu.enqueue_dma source(%arg3 : memref<128xf32, #tpu.memory_space<hbm>>) target(%arg7 : memref<128xf32, #tpu.memory_space<vmem>>) target_semaphore(%run_scoped3A : memref<!tpu.dma_semaphore, #tpu.memory_space<semaphore_mem>>)
      tpu.wait_dma2 semaphore(%run_scoped3A : memref<!tpu.dma_semaphore, #tpu.memory_space<semaphore_mem>>) src(%arg3 : memref<128xf32, #tpu.memory_space<hbm>>) dst(%arg7 : memref<128xf32, #tpu.memory_space<vmem>>)
      tpu.yield
    }) : () -> ()
    %mul3A_3 = arith.constant 80 : i32
    %mul3A_4 = arith.muli %add3A, %mul3A_3 : i32
    "tpu.region"() ({
      %run_scoped3A = tpu.sem_alloc : memref<!tpu.dma_semaphore, #tpu.memory_space<semaphore_mem>>
      %dma_start3A = arith.constant 0 : i32
      %dma_start3A_21 = arith.constant 0 : i32
      %dma_start3A_22 = tpu.memref_slice %arg2[%mul3A_4, %dma_start3A, %dma_start3A_21] : memref<2560x1x128xi32, #tpu.memory_space<hbm>> -> memref<80x1x128xi32, #tpu.memory_space<hbm>>
      %dma_start3A_23 = arith.constant 0 : i32
      %dma_start3A_24 = arith.constant 0 : i32
      %dma_start3A_25 = tpu.memref_slice %arg2[%mul3A_4, %dma_start3A_23, %dma_start3A_24] : memref<2560x1x128xi32, #tpu.memory_space<hbm>> -> memref<80x1x128xi32, #tpu.memory_space<hbm>>
      tpu.enqueue_dma source(%dma_start3A_25 : memref<80x1x128xi32, #tpu.memory_space<hbm>>) target(%arg6 : memref<80x1x128xi32, #tpu.memory_space<vmem>>) target_semaphore(%run_scoped3A : memref<!tpu.dma_semaphore, #tpu.memory_space<semaphore_mem>>)
      %dma_wait3A = arith.constant 0 : i32
      %dma_wait3A_26 = arith.constant 0 : i32
      %dma_wait3A_27 = tpu.memref_slice %arg2[%mul3A_4, %dma_wait3A, %dma_wait3A_26] : memref<2560x1x128xi32, #tpu.memory_space<hbm>> -> memref<80x1x128xi32, #tpu.memory_space<hbm>>
      %dma_wait3A_28 = arith.constant 0 : i32
      %dma_wait3A_29 = arith.constant 0 : i32
      %dma_wait3A_30 = tpu.memref_slice %arg2[%mul3A_4, %dma_wait3A_28, %dma_wait3A_29] : memref<2560x1x128xi32, #tpu.memory_space<hbm>> -> memref<80x1x128xi32, #tpu.memory_space<hbm>>
      tpu.wait_dma2 semaphore(%run_scoped3A : memref<!tpu.dma_semaphore, #tpu.memory_space<semaphore_mem>>) src(%dma_wait3A_30 : memref<80x1x128xi32, #tpu.memory_space<hbm>>) dst(%arg6 : memref<80x1x128xi32, #tpu.memory_space<vmem>>)
      tpu.yield
    }) : () -> ()
    %barrier3A = arith.constant 0 : index
    tpu.barrier barrier_id(%barrier3A)
    %scan3A = arith.constant 0 : i32
    %scan3A_5 = arith.constant 0 : i32
    %scan3A_6 = arith.constant 80 : i32
    %scan3A_7 = arith.addi %scan3A_5, %scan3A_6 : i32
    %scan3A_8 = arith.constant 1 : i32
    scf.for %scan3A_21 = %scan3A_5 to %scan3A_7 step %scan3A_8  : i32 {
      %dma_start3A = arith.constant 0 : i32
      %dma_start3A_22 = arith.constant 0 : i32
      %dma_start3A_23 = tpu.memref_slice %arg6[%scan3A_21, %dma_start3A, %dma_start3A_22] : memref<80x1x128xi32, #tpu.memory_space<vmem>> -> memref<1x1x128xi32, #tpu.memory_space<vmem>>
      %dma_start3A_24 = tpu.memref_squeeze %dma_start3A_23 : memref<1x1x128xi32, #tpu.memory_space<vmem>> -> memref<128xi32, #tpu.memory_space<vmem>>
      %dma_start3A_25 = arith.constant 0 : i32
      %dma_start3A_26 = tpu.memref_slice %arg9[%dma_start3A_25] : memref<10240xf32, #tpu.memory_space<vmem_shared>> -> memref<10240xf32, #tpu.memory_space<vmem_shared>>
      tpu.enqueue_indirect_dma source(%arg7 : memref<128xf32, #tpu.memory_space<vmem>>) target(%dma_start3A_26 : memref<10240xf32, #tpu.memory_space<vmem_shared>>) offsets(%dma_start3A_24 : memref<128xi32, #tpu.memory_space<vmem>>) semaphore(%arg8 : memref<!tpu.dma_semaphore, #tpu.memory_space<semaphore_mem>>) {add = true}
    }
    %scan3A_9 = arith.constant 80 : i32
    %scan3A_10 = arith.constant 0 : i32
    %scan3A_11 = arith.constant 0 : i32
    %scan3A_12 = arith.constant 80 : i32
    %scan3A_13 = arith.addi %scan3A_11, %scan3A_12 : i32
    %scan3A_14 = arith.constant 1 : i32
    scf.for %scan3A_21 = %scan3A_11 to %scan3A_13 step %scan3A_14  : i32 {
      %dma_wait3A = arith.constant 0 : i32
      %dma_wait3A_22 = arith.constant 0 : i32
      %dma_wait3A_23 = arith.constant 0 : i32
      %dma_wait3A_24 = tpu.memref_slice %arg6[%dma_wait3A, %dma_wait3A_22, %dma_wait3A_23] : memref<80x1x128xi32, #tpu.memory_space<vmem>> -> memref<1x1x128xi32, #tpu.memory_space<vmem>>
      %dma_wait3A_25 = tpu.memref_squeeze %dma_wait3A_24 : memref<1x1x128xi32, #tpu.memory_space<vmem>> -> memref<128xi32, #tpu.memory_space<vmem>>
      %dma_wait3A_26 = arith.constant 0 : i32
      %dma_wait3A_27 = tpu.memref_slice %arg9[%dma_wait3A_26] : memref<10240xf32, #tpu.memory_space<vmem_shared>> -> memref<10240xf32, #tpu.memory_space<vmem_shared>>
      tpu.wait_indirect_dma semaphore(%arg8 : memref<!tpu.dma_semaphore, #tpu.memory_space<semaphore_mem>>) src(%arg7 : memref<128xf32, #tpu.memory_space<vmem>>) dst(%dma_wait3A_27 : memref<10240xf32, #tpu.memory_space<vmem_shared>>)
    }
    %scan3A_15 = arith.constant 80 : i32
    %barrier3A_16 = arith.constant 0 : index
    tpu.barrier barrier_id(%barrier3A_16)
    %mul3A_17 = arith.constant 640 : i32
    %mul3A_18 = arith.muli %arg1, %mul3A_17 : i32
    %mul3A_19 = arith.constant 640 : i32
    %mul3A_20 = arith.muli %arg1, %mul3A_19 : i32
    "tpu.region"() ({
      %run_scoped3A = tpu.sem_alloc : memref<!tpu.dma_semaphore, #tpu.memory_space<semaphore_mem>>
      %dma_start3A = tpu.memref_slice %arg5[%arg0, %mul3A_20] : memref<2x10240xf32, #tpu.memory_space<hbm>> -> memref<1x640xf32, #tpu.memory_space<hbm>>
      %dma_start3A_21 = tpu.memref_squeeze %dma_start3A : memref<1x640xf32, #tpu.memory_space<hbm>> -> memref<640xf32, #tpu.memory_space<hbm>>
      %dma_start3A_22 = tpu.memref_slice %arg9[%mul3A_18] : memref<10240xf32, #tpu.memory_space<vmem_shared>> -> memref<640xf32, #tpu.memory_space<vmem_shared>>
      tpu.enqueue_dma source(%dma_start3A_22 : memref<640xf32, #tpu.memory_space<vmem_shared>>) target(%dma_start3A_21 : memref<640xf32, #tpu.memory_space<hbm>>) target_semaphore(%run_scoped3A : memref<!tpu.dma_semaphore, #tpu.memory_space<semaphore_mem>>)
      %dma_wait3A = tpu.memref_slice %arg5[%arg0, %mul3A_20] : memref<2x10240xf32, #tpu.memory_space<hbm>> -> memref<1x640xf32, #tpu.memory_space<hbm>>
      %dma_wait3A_23 = tpu.memref_squeeze %dma_wait3A : memref<1x640xf32, #tpu.memory_space<hbm>> -> memref<640xf32, #tpu.memory_space<hbm>>
      %dma_wait3A_24 = tpu.memref_slice %arg9[%mul3A_18] : memref<10240xf32, #tpu.memory_space<vmem_shared>> -> memref<640xf32, #tpu.memory_space<vmem_shared>>
      tpu.wait_dma2 semaphore(%run_scoped3A : memref<!tpu.dma_semaphore, #tpu.memory_space<semaphore_mem>>) src(%dma_wait3A_24 : memref<640xf32, #tpu.memory_space<vmem_shared>>) dst(%dma_wait3A_23 : memref<640xf32, #tpu.memory_space<hbm>>)
      tpu.yield
    }) : () -> ()
    return
  }
}

#map = affine_map<(d0, d1) -> (0)>
#map1 = affine_map<(d0, d1) -> (0, 0, 0)>
#map2 = affine_map<(d0, d1) -> (0, 0)>
module attributes {stable_mosaic.version = 14 : i64} {
  func.func @_sagg_body(%arg0: i32, %arg1: i32, %arg2: memref<10240xf32, #tpu.memory_space<hbm>>, %arg3: memref<2560x1x128xi32, #tpu.memory_space<hbm>>, %arg4: memref<2560x1x128xi32, #tpu.memory_space<hbm>>, %arg5: memref<640xf32, #tpu.memory_space<hbm>>, %arg6: memref<2x10240xf32, #tpu.memory_space<hbm>>, %arg7: memref<80x1x128xi32, #tpu.memory_space<vmem>>, %arg8: memref<80x1x128xi32, #tpu.memory_space<vmem>>, %arg9: memref<80x1x128xf32, #tpu.memory_space<vmem>>, %arg10: memref<10240xf32, #tpu.memory_space<vmem>>, %arg11: memref<!tpu.dma_semaphore, #tpu.memory_space<semaphore_mem>>, %arg12: memref<!tpu.dma_semaphore, #tpu.memory_space<semaphore_mem>>, %arg13: memref<10240xf32, #tpu.memory_space<vmem_shared>>) attributes {dimension_semantics = [#tpu.dimension_semantics<core_parallel>, #tpu.dimension_semantics<subcore_parallel>], iteration_bounds = array<i64: 2, 16>, scalar_prefetch = 0 : i64, scratch_operands = 7 : i64, tpu.core_type = #tpu.core_type<sc_vector_subcore>, window_params = [{transform_indices = #map}, {transform_indices = #map1}, {transform_indices = #map1}, {transform_indices = #map}, {transform_indices = #map2}]} {
    %mul3A = arith.constant 2 : i32
    %mul3A_0 = arith.muli %arg1, %mul3A : i32
    %add3A = arith.addi %mul3A_0, %arg0 : i32
    %mul3A_1 = arith.constant 640 : i32
    %mul3A_2 = arith.muli %arg1, %mul3A_1 : i32
    "tpu.region"() ({
      %run_scoped3A = tpu.sem_alloc : memref<!tpu.dma_semaphore, #tpu.memory_space<semaphore_mem>>
      %dma_start3A = tpu.memref_slice %arg13[%mul3A_2] : memref<10240xf32, #tpu.memory_space<vmem_shared>> -> memref<640xf32, #tpu.memory_space<vmem_shared>>
      tpu.enqueue_dma source(%arg5 : memref<640xf32, #tpu.memory_space<hbm>>) target(%dma_start3A : memref<640xf32, #tpu.memory_space<vmem_shared>>) target_semaphore(%run_scoped3A : memref<!tpu.dma_semaphore, #tpu.memory_space<semaphore_mem>>)
      %dma_wait3A = tpu.memref_slice %arg13[%mul3A_2] : memref<10240xf32, #tpu.memory_space<vmem_shared>> -> memref<640xf32, #tpu.memory_space<vmem_shared>>
      tpu.wait_dma2 semaphore(%run_scoped3A : memref<!tpu.dma_semaphore, #tpu.memory_space<semaphore_mem>>) src(%arg5 : memref<640xf32, #tpu.memory_space<hbm>>) dst(%dma_wait3A : memref<640xf32, #tpu.memory_space<vmem_shared>>)
      tpu.yield
    }) : () -> ()
    "tpu.region"() ({
      %run_scoped3A = tpu.sem_alloc : memref<!tpu.dma_semaphore, #tpu.memory_space<semaphore_mem>>
      tpu.enqueue_dma source(%arg2 : memref<10240xf32, #tpu.memory_space<hbm>>) target(%arg10 : memref<10240xf32, #tpu.memory_space<vmem>>) target_semaphore(%run_scoped3A : memref<!tpu.dma_semaphore, #tpu.memory_space<semaphore_mem>>)
      tpu.wait_dma2 semaphore(%run_scoped3A : memref<!tpu.dma_semaphore, #tpu.memory_space<semaphore_mem>>) src(%arg2 : memref<10240xf32, #tpu.memory_space<hbm>>) dst(%arg10 : memref<10240xf32, #tpu.memory_space<vmem>>)
      tpu.yield
    }) : () -> ()
    %mul3A_3 = arith.constant 80 : i32
    %mul3A_4 = arith.muli %add3A, %mul3A_3 : i32
    "tpu.region"() ({
      %run_scoped3A = tpu.sem_alloc : memref<!tpu.dma_semaphore, #tpu.memory_space<semaphore_mem>>
      %dma_start3A = arith.constant 0 : i32
      %dma_start3A_23 = arith.constant 0 : i32
      %dma_start3A_24 = tpu.memref_slice %arg3[%mul3A_4, %dma_start3A, %dma_start3A_23] : memref<2560x1x128xi32, #tpu.memory_space<hbm>> -> memref<80x1x128xi32, #tpu.memory_space<hbm>>
      %dma_start3A_25 = arith.constant 0 : i32
      %dma_start3A_26 = arith.constant 0 : i32
      %dma_start3A_27 = tpu.memref_slice %arg3[%mul3A_4, %dma_start3A_25, %dma_start3A_26] : memref<2560x1x128xi32, #tpu.memory_space<hbm>> -> memref<80x1x128xi32, #tpu.memory_space<hbm>>
      tpu.enqueue_dma source(%dma_start3A_27 : memref<80x1x128xi32, #tpu.memory_space<hbm>>) target(%arg7 : memref<80x1x128xi32, #tpu.memory_space<vmem>>) target_semaphore(%run_scoped3A : memref<!tpu.dma_semaphore, #tpu.memory_space<semaphore_mem>>)
      %dma_wait3A = arith.constant 0 : i32
      %dma_wait3A_28 = arith.constant 0 : i32
      %dma_wait3A_29 = tpu.memref_slice %arg3[%mul3A_4, %dma_wait3A, %dma_wait3A_28] : memref<2560x1x128xi32, #tpu.memory_space<hbm>> -> memref<80x1x128xi32, #tpu.memory_space<hbm>>
      %dma_wait3A_30 = arith.constant 0 : i32
      %dma_wait3A_31 = arith.constant 0 : i32
      %dma_wait3A_32 = tpu.memref_slice %arg3[%mul3A_4, %dma_wait3A_30, %dma_wait3A_31] : memref<2560x1x128xi32, #tpu.memory_space<hbm>> -> memref<80x1x128xi32, #tpu.memory_space<hbm>>
      tpu.wait_dma2 semaphore(%run_scoped3A : memref<!tpu.dma_semaphore, #tpu.memory_space<semaphore_mem>>) src(%dma_wait3A_32 : memref<80x1x128xi32, #tpu.memory_space<hbm>>) dst(%arg7 : memref<80x1x128xi32, #tpu.memory_space<vmem>>)
      tpu.yield
    }) : () -> ()
    %mul3A_5 = arith.constant 80 : i32
    %mul3A_6 = arith.muli %add3A, %mul3A_5 : i32
    "tpu.region"() ({
      %run_scoped3A = tpu.sem_alloc : memref<!tpu.dma_semaphore, #tpu.memory_space<semaphore_mem>>
      %dma_start3A = arith.constant 0 : i32
      %dma_start3A_23 = arith.constant 0 : i32
      %dma_start3A_24 = tpu.memref_slice %arg4[%mul3A_6, %dma_start3A, %dma_start3A_23] : memref<2560x1x128xi32, #tpu.memory_space<hbm>> -> memref<80x1x128xi32, #tpu.memory_space<hbm>>
      %dma_start3A_25 = arith.constant 0 : i32
      %dma_start3A_26 = arith.constant 0 : i32
      %dma_start3A_27 = tpu.memref_slice %arg4[%mul3A_6, %dma_start3A_25, %dma_start3A_26] : memref<2560x1x128xi32, #tpu.memory_space<hbm>> -> memref<80x1x128xi32, #tpu.memory_space<hbm>>
      tpu.enqueue_dma source(%dma_start3A_27 : memref<80x1x128xi32, #tpu.memory_space<hbm>>) target(%arg8 : memref<80x1x128xi32, #tpu.memory_space<vmem>>) target_semaphore(%run_scoped3A : memref<!tpu.dma_semaphore, #tpu.memory_space<semaphore_mem>>)
      %dma_wait3A = arith.constant 0 : i32
      %dma_wait3A_28 = arith.constant 0 : i32
      %dma_wait3A_29 = tpu.memref_slice %arg4[%mul3A_6, %dma_wait3A, %dma_wait3A_28] : memref<2560x1x128xi32, #tpu.memory_space<hbm>> -> memref<80x1x128xi32, #tpu.memory_space<hbm>>
      %dma_wait3A_30 = arith.constant 0 : i32
      %dma_wait3A_31 = arith.constant 0 : i32
      %dma_wait3A_32 = tpu.memref_slice %arg4[%mul3A_6, %dma_wait3A_30, %dma_wait3A_31] : memref<2560x1x128xi32, #tpu.memory_space<hbm>> -> memref<80x1x128xi32, #tpu.memory_space<hbm>>
      tpu.wait_dma2 semaphore(%run_scoped3A : memref<!tpu.dma_semaphore, #tpu.memory_space<semaphore_mem>>) src(%dma_wait3A_32 : memref<80x1x128xi32, #tpu.memory_space<hbm>>) dst(%arg8 : memref<80x1x128xi32, #tpu.memory_space<vmem>>)
      tpu.yield
    }) : () -> ()
    %barrier3A = arith.constant 0 : index
    tpu.barrier barrier_id(%barrier3A)
    %scan3A = arith.constant 0 : i32
    %scan3A_7 = arith.constant 0 : i32
    %scan3A_8 = arith.constant 80 : i32
    %scan3A_9 = arith.addi %scan3A_7, %scan3A_8 : i32
    %scan3A_10 = arith.constant 1 : i32
    scf.for %scan3A_23 = %scan3A_7 to %scan3A_9 step %scan3A_10  : i32 {
      %get3A = arith.constant 0 : i32
      %get3A_24 = arith.index_cast %scan3A_23 : i32 to index
      %get3A_25 = arith.index_cast %get3A : i32 to index
      %get3A_26 = arith.constant 0 : index
      %get3A_27 = tpu.vector_load %arg7[%get3A_24, %get3A_25, %get3A_26] {strides = array<i32>} : memref<80x1x128xi32, #tpu.memory_space<vmem>>, vector<16xi32>,
      %gather3A = tpu.vector_load_idx %arg10[%get3A_27] : memref<10240xf32, #tpu.memory_space<vmem>>[vector<16xi32>], vector<16xf32>,
      %swap3A = arith.constant 0 : i32
      %swap3A_28 = arith.index_cast %scan3A_23 : i32 to index
      %swap3A_29 = arith.index_cast %swap3A : i32 to index
      %swap3A_30 = arith.constant 0 : index
      %swap3A_31 = tpu.vector_load %arg9[%swap3A_28, %swap3A_29, %swap3A_30] {strides = array<i32>} : memref<80x1x128xf32, #tpu.memory_space<vmem>>, vector<16xf32>,
      tpu.vector_store %arg9[%swap3A_28, %swap3A_29, %swap3A_30], %gather3A {strides = array<i32>} : memref<80x1x128xf32, #tpu.memory_space<vmem>>, vector<16xf32>,
      %get3A_32 = arith.constant 0 : i32
      %get3A_33 = arith.index_cast %scan3A_23 : i32 to index
      %get3A_34 = arith.index_cast %get3A_32 : i32 to index
      %get3A_35 = arith.constant 16 : index
      %get3A_36 = tpu.vector_load %arg7[%get3A_33, %get3A_34, %get3A_35] {strides = array<i32>} : memref<80x1x128xi32, #tpu.memory_space<vmem>>, vector<16xi32>,
      %gather3A_37 = tpu.vector_load_idx %arg10[%get3A_36] : memref<10240xf32, #tpu.memory_space<vmem>>[vector<16xi32>], vector<16xf32>,
      %swap3A_38 = arith.constant 0 : i32
      %swap3A_39 = arith.index_cast %scan3A_23 : i32 to index
      %swap3A_40 = arith.index_cast %swap3A_38 : i32 to index
      %swap3A_41 = arith.constant 16 : index
      %swap3A_42 = tpu.vector_load %arg9[%swap3A_39, %swap3A_40, %swap3A_41] {strides = array<i32>} : memref<80x1x128xf32, #tpu.memory_space<vmem>>, vector<16xf32>,
      tpu.vector_store %arg9[%swap3A_39, %swap3A_40, %swap3A_41], %gather3A_37 {strides = array<i32>} : memref<80x1x128xf32, #tpu.memory_space<vmem>>, vector<16xf32>,
      %get3A_43 = arith.constant 0 : i32
      %get3A_44 = arith.index_cast %scan3A_23 : i32 to index
      %get3A_45 = arith.index_cast %get3A_43 : i32 to index
      %get3A_46 = arith.constant 32 : index
      %get3A_47 = tpu.vector_load %arg7[%get3A_44, %get3A_45, %get3A_46] {strides = array<i32>} : memref<80x1x128xi32, #tpu.memory_space<vmem>>, vector<16xi32>,
      %gather3A_48 = tpu.vector_load_idx %arg10[%get3A_47] : memref<10240xf32, #tpu.memory_space<vmem>>[vector<16xi32>], vector<16xf32>,
      %swap3A_49 = arith.constant 0 : i32
      %swap3A_50 = arith.index_cast %scan3A_23 : i32 to index
      %swap3A_51 = arith.index_cast %swap3A_49 : i32 to index
      %swap3A_52 = arith.constant 32 : index
      %swap3A_53 = tpu.vector_load %arg9[%swap3A_50, %swap3A_51, %swap3A_52] {strides = array<i32>} : memref<80x1x128xf32, #tpu.memory_space<vmem>>, vector<16xf32>,
      tpu.vector_store %arg9[%swap3A_50, %swap3A_51, %swap3A_52], %gather3A_48 {strides = array<i32>} : memref<80x1x128xf32, #tpu.memory_space<vmem>>, vector<16xf32>,
      %get3A_54 = arith.constant 0 : i32
      %get3A_55 = arith.index_cast %scan3A_23 : i32 to index
      %get3A_56 = arith.index_cast %get3A_54 : i32 to index
      %get3A_57 = arith.constant 48 : index
      %get3A_58 = tpu.vector_load %arg7[%get3A_55, %get3A_56, %get3A_57] {strides = array<i32>} : memref<80x1x128xi32, #tpu.memory_space<vmem>>, vector<16xi32>,
      %gather3A_59 = tpu.vector_load_idx %arg10[%get3A_58] : memref<10240xf32, #tpu.memory_space<vmem>>[vector<16xi32>], vector<16xf32>,
      %swap3A_60 = arith.constant 0 : i32
      %swap3A_61 = arith.index_cast %scan3A_23 : i32 to index
      %swap3A_62 = arith.index_cast %swap3A_60 : i32 to index
      %swap3A_63 = arith.constant 48 : index
      %swap3A_64 = tpu.vector_load %arg9[%swap3A_61, %swap3A_62, %swap3A_63] {strides = array<i32>} : memref<80x1x128xf32, #tpu.memory_space<vmem>>, vector<16xf32>,
      tpu.vector_store %arg9[%swap3A_61, %swap3A_62, %swap3A_63], %gather3A_59 {strides = array<i32>} : memref<80x1x128xf32, #tpu.memory_space<vmem>>, vector<16xf32>,
      %get3A_65 = arith.constant 0 : i32
      %get3A_66 = arith.index_cast %scan3A_23 : i32 to index
      %get3A_67 = arith.index_cast %get3A_65 : i32 to index
      %get3A_68 = arith.constant 64 : index
      %get3A_69 = tpu.vector_load %arg7[%get3A_66, %get3A_67, %get3A_68] {strides = array<i32>} : memref<80x1x128xi32, #tpu.memory_space<vmem>>, vector<16xi32>,
      %gather3A_70 = tpu.vector_load_idx %arg10[%get3A_69] : memref<10240xf32, #tpu.memory_space<vmem>>[vector<16xi32>], vector<16xf32>,
      %swap3A_71 = arith.constant 0 : i32
      %swap3A_72 = arith.index_cast %scan3A_23 : i32 to index
      %swap3A_73 = arith.index_cast %swap3A_71 : i32 to index
      %swap3A_74 = arith.constant 64 : index
      %swap3A_75 = tpu.vector_load %arg9[%swap3A_72, %swap3A_73, %swap3A_74] {strides = array<i32>} : memref<80x1x128xf32, #tpu.memory_space<vmem>>, vector<16xf32>,
      tpu.vector_store %arg9[%swap3A_72, %swap3A_73, %swap3A_74], %gather3A_70 {strides = array<i32>} : memref<80x1x128xf32, #tpu.memory_space<vmem>>, vector<16xf32>,
      %get3A_76 = arith.constant 0 : i32
      %get3A_77 = arith.index_cast %scan3A_23 : i32 to index
      %get3A_78 = arith.index_cast %get3A_76 : i32 to index
      %get3A_79 = arith.constant 80 : index
      %get3A_80 = tpu.vector_load %arg7[%get3A_77, %get3A_78, %get3A_79] {strides = array<i32>} : memref<80x1x128xi32, #tpu.memory_space<vmem>>, vector<16xi32>,
      %gather3A_81 = tpu.vector_load_idx %arg10[%get3A_80] : memref<10240xf32, #tpu.memory_space<vmem>>[vector<16xi32>], vector<16xf32>,
      %swap3A_82 = arith.constant 0 : i32
      %swap3A_83 = arith.index_cast %scan3A_23 : i32 to index
      %swap3A_84 = arith.index_cast %swap3A_82 : i32 to index
      %swap3A_85 = arith.constant 80 : index
      %swap3A_86 = tpu.vector_load %arg9[%swap3A_83, %swap3A_84, %swap3A_85] {strides = array<i32>} : memref<80x1x128xf32, #tpu.memory_space<vmem>>, vector<16xf32>,
      tpu.vector_store %arg9[%swap3A_83, %swap3A_84, %swap3A_85], %gather3A_81 {strides = array<i32>} : memref<80x1x128xf32, #tpu.memory_space<vmem>>, vector<16xf32>,
      %get3A_87 = arith.constant 0 : i32
      %get3A_88 = arith.index_cast %scan3A_23 : i32 to index
      %get3A_89 = arith.index_cast %get3A_87 : i32 to index
      %get3A_90 = arith.constant 96 : index
      %get3A_91 = tpu.vector_load %arg7[%get3A_88, %get3A_89, %get3A_90] {strides = array<i32>} : memref<80x1x128xi32, #tpu.memory_space<vmem>>, vector<16xi32>,
      %gather3A_92 = tpu.vector_load_idx %arg10[%get3A_91] : memref<10240xf32, #tpu.memory_space<vmem>>[vector<16xi32>], vector<16xf32>,
      %swap3A_93 = arith.constant 0 : i32
      %swap3A_94 = arith.index_cast %scan3A_23 : i32 to index
      %swap3A_95 = arith.index_cast %swap3A_93 : i32 to index
      %swap3A_96 = arith.constant 96 : index
      %swap3A_97 = tpu.vector_load %arg9[%swap3A_94, %swap3A_95, %swap3A_96] {strides = array<i32>} : memref<80x1x128xf32, #tpu.memory_space<vmem>>, vector<16xf32>,
      tpu.vector_store %arg9[%swap3A_94, %swap3A_95, %swap3A_96], %gather3A_92 {strides = array<i32>} : memref<80x1x128xf32, #tpu.memory_space<vmem>>, vector<16xf32>,
      %get3A_98 = arith.constant 0 : i32
      %get3A_99 = arith.index_cast %scan3A_23 : i32 to index
      %get3A_100 = arith.index_cast %get3A_98 : i32 to index
      %get3A_101 = arith.constant 112 : index
      %get3A_102 = tpu.vector_load %arg7[%get3A_99, %get3A_100, %get3A_101] {strides = array<i32>} : memref<80x1x128xi32, #tpu.memory_space<vmem>>, vector<16xi32>,
      %gather3A_103 = tpu.vector_load_idx %arg10[%get3A_102] : memref<10240xf32, #tpu.memory_space<vmem>>[vector<16xi32>], vector<16xf32>,
      %swap3A_104 = arith.constant 0 : i32
      %swap3A_105 = arith.index_cast %scan3A_23 : i32 to index
      %swap3A_106 = arith.index_cast %swap3A_104 : i32 to index
      %swap3A_107 = arith.constant 112 : index
      %swap3A_108 = tpu.vector_load %arg9[%swap3A_105, %swap3A_106, %swap3A_107] {strides = array<i32>} : memref<80x1x128xf32, #tpu.memory_space<vmem>>, vector<16xf32>,
      tpu.vector_store %arg9[%swap3A_105, %swap3A_106, %swap3A_107], %gather3A_103 {strides = array<i32>} : memref<80x1x128xf32, #tpu.memory_space<vmem>>, vector<16xf32>,
      %dma_start3A = arith.constant 0 : i32
      %dma_start3A_109 = arith.constant 0 : i32
      %dma_start3A_110 = arith.constant 0 : i32
      %dma_start3A_111 = tpu.memref_slice %arg9[%scan3A_23, %dma_start3A, %dma_start3A_110] : memref<80x1x128xf32, #tpu.memory_space<vmem>> -> memref<1x1x128xf32, #tpu.memory_space<vmem>>
      %dma_start3A_112 = tpu.memref_squeeze %dma_start3A_111 : memref<1x1x128xf32, #tpu.memory_space<vmem>> -> memref<128xf32, #tpu.memory_space<vmem>>
      %dma_start3A_113 = arith.constant 0 : i32
      %dma_start3A_114 = tpu.memref_slice %arg8[%scan3A_23, %dma_start3A_109, %dma_start3A_113] : memref<80x1x128xi32, #tpu.memory_space<vmem>> -> memref<1x1x128xi32, #tpu.memory_space<vmem>>
      %dma_start3A_115 = tpu.memref_squeeze %dma_start3A_114 : memref<1x1x128xi32, #tpu.memory_space<vmem>> -> memref<128xi32, #tpu.memory_space<vmem>>
      %dma_start3A_116 = arith.constant 0 : i32
      %dma_start3A_117 = tpu.memref_slice %arg13[%dma_start3A_116] : memref<10240xf32, #tpu.memory_space<vmem_shared>> -> memref<10240xf32, #tpu.memory_space<vmem_shared>>
      tpu.enqueue_indirect_dma source(%dma_start3A_112 : memref<128xf32, #tpu.memory_space<vmem>>) target(%dma_start3A_117 : memref<10240xf32, #tpu.memory_space<vmem_shared>>) offsets(%dma_start3A_115 : memref<128xi32, #tpu.memory_space<vmem>>) semaphore(%arg12 : memref<!tpu.dma_semaphore, #tpu.memory_space<semaphore_mem>>) {add = true}
    }
    %scan3A_11 = arith.constant 80 : i32
    %scan3A_12 = arith.constant 0 : i32
    %scan3A_13 = arith.constant 0 : i32
    %scan3A_14 = arith.constant 80 : i32
    %scan3A_15 = arith.addi %scan3A_13, %scan3A_14 : i32
    %scan3A_16 = arith.constant 1 : i32
    scf.for %scan3A_23 = %scan3A_13 to %scan3A_15 step %scan3A_16  : i32 {
      %dma_wait3A = arith.constant 0 : i32
      %dma_wait3A_24 = arith.constant 0 : i32
      %dma_wait3A_25 = arith.constant 0 : i32
      %dma_wait3A_26 = arith.constant 0 : i32
      %dma_wait3A_27 = arith.constant 0 : i32
      %dma_wait3A_28 = tpu.memref_slice %arg9[%dma_wait3A, %dma_wait3A_24, %dma_wait3A_27] : memref<80x1x128xf32, #tpu.memory_space<vmem>> -> memref<1x1x128xf32, #tpu.memory_space<vmem>>
      %dma_wait3A_29 = tpu.memref_squeeze %dma_wait3A_28 : memref<1x1x128xf32, #tpu.memory_space<vmem>> -> memref<128xf32, #tpu.memory_space<vmem>>
      %dma_wait3A_30 = arith.constant 0 : i32
      %dma_wait3A_31 = tpu.memref_slice %arg8[%dma_wait3A_25, %dma_wait3A_26, %dma_wait3A_30] : memref<80x1x128xi32, #tpu.memory_space<vmem>> -> memref<1x1x128xi32, #tpu.memory_space<vmem>>
      %dma_wait3A_32 = tpu.memref_squeeze %dma_wait3A_31 : memref<1x1x128xi32, #tpu.memory_space<vmem>> -> memref<128xi32, #tpu.memory_space<vmem>>
      %dma_wait3A_33 = arith.constant 0 : i32
      %dma_wait3A_34 = tpu.memref_slice %arg13[%dma_wait3A_33] : memref<10240xf32, #tpu.memory_space<vmem_shared>> -> memref<10240xf32, #tpu.memory_space<vmem_shared>>
      tpu.wait_indirect_dma semaphore(%arg12 : memref<!tpu.dma_semaphore, #tpu.memory_space<semaphore_mem>>) src(%dma_wait3A_29 : memref<128xf32, #tpu.memory_space<vmem>>) dst(%dma_wait3A_34 : memref<10240xf32, #tpu.memory_space<vmem_shared>>)
    }
    %scan3A_17 = arith.constant 80 : i32
    %barrier3A_18 = arith.constant 0 : index
    tpu.barrier barrier_id(%barrier3A_18)
    %mul3A_19 = arith.constant 640 : i32
    %mul3A_20 = arith.muli %arg1, %mul3A_19 : i32
    %mul3A_21 = arith.constant 640 : i32
    %mul3A_22 = arith.muli %arg1, %mul3A_21 : i32
    "tpu.region"() ({
      %run_scoped3A = tpu.sem_alloc : memref<!tpu.dma_semaphore, #tpu.memory_space<semaphore_mem>>
      %dma_start3A = tpu.memref_slice %arg6[%arg0, %mul3A_22] : memref<2x10240xf32, #tpu.memory_space<hbm>> -> memref<1x640xf32, #tpu.memory_space<hbm>>
      %dma_start3A_23 = tpu.memref_squeeze %dma_start3A : memref<1x640xf32, #tpu.memory_space<hbm>> -> memref<640xf32, #tpu.memory_space<hbm>>
      %dma_start3A_24 = tpu.memref_slice %arg13[%mul3A_20] : memref<10240xf32, #tpu.memory_space<vmem_shared>> -> memref<640xf32, #tpu.memory_space<vmem_shared>>
      tpu.enqueue_dma source(%dma_start3A_24 : memref<640xf32, #tpu.memory_space<vmem_shared>>) target(%dma_start3A_23 : memref<640xf32, #tpu.memory_space<hbm>>) target_semaphore(%run_scoped3A : memref<!tpu.dma_semaphore, #tpu.memory_space<semaphore_mem>>)
      %dma_wait3A = tpu.memref_slice %arg6[%arg0, %mul3A_22] : memref<2x10240xf32, #tpu.memory_space<hbm>> -> memref<1x640xf32, #tpu.memory_space<hbm>>
      %dma_wait3A_25 = tpu.memref_squeeze %dma_wait3A : memref<1x640xf32, #tpu.memory_space<hbm>> -> memref<640xf32, #tpu.memory_space<hbm>>
      %dma_wait3A_26 = tpu.memref_slice %arg13[%mul3A_20] : memref<10240xf32, #tpu.memory_space<vmem_shared>> -> memref<640xf32, #tpu.memory_space<vmem_shared>>
      tpu.wait_dma2 semaphore(%run_scoped3A : memref<!tpu.dma_semaphore, #tpu.memory_space<semaphore_mem>>) src(%dma_wait3A_26 : memref<640xf32, #tpu.memory_space<vmem_shared>>) dst(%dma_wait3A_25 : memref<640xf32, #tpu.memory_space<hbm>>)
      tpu.yield
    }) : () -> ()
    return
  }
}

module attributes {stable_mosaic.version = 14 : i64} {
  func.func @_yd_body(%arg0: memref<10000x128xf32, #tpu.memory_space<vmem>>, %arg1: memref<128x128xf32, #tpu.memory_space<vmem>>, %arg2: memref<10000x1xf32, #tpu.memory_space<vmem>>, %arg3: memref<10000x1xf32, #tpu.memory_space<vmem>>, %arg4: memref<10000x128xf32, #tpu.memory_space<vmem>>, %arg5: memref<10000x1xf32, #tpu.memory_space<vmem>>) attributes {dimension_semantics = [], scalar_prefetch = 0 : i64, scratch_operands = 0 : i64, tpu.core_type = #tpu.core_type<tc>} {
    %get3A = arith.constant 0 : index
    %get3A_0 = arith.constant 0 : index
    %get3A_1 = vector.load %arg2[%get3A, %get3A_0] : memref<10000x1xf32, #tpu.memory_space<vmem>>, vector<10000x1xf32>
    %add3A = arith.constant 1.000000e+00 : f32
    %add3A_2 = vector.broadcast %add3A : f32 to vector<10000x1xf32>
    %add3A_3 = arith.addf %add3A_2, %get3A_1 : vector<10000x1xf32>
    %get3A_4 = arith.constant 0 : index
    %get3A_5 = arith.constant 0 : index
    %get3A_6 = vector.load %arg3[%get3A_4, %get3A_5] : memref<10000x1xf32, #tpu.memory_space<vmem>>, vector<10000x1xf32>
    %add3A_7 = arith.addf %add3A_3, %get3A_6 : vector<10000x1xf32>
    %rsqrt3A = math.rsqrt %add3A_7 : vector<10000x1xf32>
    %get3A_8 = arith.constant 0 : index
    %get3A_9 = arith.constant 0 : index
    %get3A_10 = vector.load %arg0[%get3A_8, %get3A_9] : memref<10000x128xf32, #tpu.memory_space<vmem>>, vector<10000x128xf32>
    %get3A_11 = arith.constant 0 : index
    %get3A_12 = arith.constant 0 : index
    %get3A_13 = vector.load %arg1[%get3A_11, %get3A_12] : memref<128x128xf32, #tpu.memory_space<vmem>>, vector<128x128xf32>
    %dot_general3A = arith.constant dense<0.000000e+00> : vector<10000x128xf32>
    %dot_general3A_14 = tpu.matmul %get3A_10, %get3A_13, %dot_general3A {dimension_numbers = #tpu.dot_dimension_numbers<[1], [0], [0], [1], [0, 0, 1, 1], [], []>, transpose_lhs_hint = false} : vector<10000x128xf32>, vector<128x128xf32>, vector<10000x128xf32> -> vector<10000x128xf32>
    %mul3A = vector.broadcast %rsqrt3A : vector<10000x1xf32> to vector<10000x128xf32>
    %mul3A_15 = arith.mulf %dot_general3A_14, %mul3A : vector<10000x128xf32>
    %swap3A = arith.constant 0 : index
    %swap3A_16 = arith.constant 0 : index
    %swap3A_17 = vector.load %arg4[%swap3A, %swap3A_16] : memref<10000x128xf32, #tpu.memory_space<vmem>>, vector<10000x128xf32>
    tpu.vector_store %arg4[%swap3A, %swap3A_16], %mul3A_15 {strides = array<i32>} : memref<10000x128xf32, #tpu.memory_space<vmem>>, vector<10000x128xf32>,
    %swap3A_18 = arith.constant 0 : index
    %swap3A_19 = arith.constant 0 : index
    %swap3A_20 = vector.load %arg5[%swap3A_18, %swap3A_19] : memref<10000x1xf32, #tpu.memory_space<vmem>>, vector<10000x1xf32>
    tpu.vector_store %arg5[%swap3A_18, %swap3A_19], %rsqrt3A {strides = array<i32>} : memref<10000x1xf32, #tpu.memory_space<vmem>>, vector<10000x1xf32>,
    return
  }
}

module attributes {stable_mosaic.version = 14 : i64} {
  func.func @_h_body(%arg0: memref<10000x128xf32, #tpu.memory_space<vmem>>, %arg1: memref<10000x128xf32, #tpu.memory_space<vmem>>, %arg2: memref<10000x128xf32, #tpu.memory_space<vmem>>, %arg3: memref<10000x1xf32, #tpu.memory_space<vmem>>, %arg4: memref<1x128xf32, #tpu.memory_space<vmem>>, %arg5: memref<128x128xf32, #tpu.memory_space<vmem>>, %arg6: memref<128x1xf32, #tpu.memory_space<vmem>>, %arg7: memref<10000x1xf32, #tpu.memory_space<vmem>>) attributes {dimension_semantics = [], scalar_prefetch = 0 : i64, scratch_operands = 0 : i64, tpu.core_type = #tpu.core_type<tc>} {
    %get3A = arith.constant 0 : index
    %get3A_0 = arith.constant 0 : index
    %get3A_1 = vector.load %arg3[%get3A, %get3A_0] : memref<10000x1xf32, #tpu.memory_space<vmem>>, vector<10000x1xf32>
    %get3A_2 = arith.constant 0 : index
    %get3A_3 = arith.constant 0 : index
    %get3A_4 = vector.load %arg0[%get3A_2, %get3A_3] : memref<10000x128xf32, #tpu.memory_space<vmem>>, vector<10000x128xf32>
    %get3A_5 = arith.constant 0 : index
    %get3A_6 = arith.constant 0 : index
    %get3A_7 = vector.load %arg1[%get3A_5, %get3A_6] : memref<10000x128xf32, #tpu.memory_space<vmem>>, vector<10000x128xf32>
    %add3A = arith.addf %get3A_4, %get3A_7 : vector<10000x128xf32>
    %get3A_8 = arith.constant 0 : index
    %get3A_9 = arith.constant 0 : index
    %get3A_10 = vector.load %arg2[%get3A_8, %get3A_9] : memref<10000x128xf32, #tpu.memory_space<vmem>>, vector<10000x128xf32>
    %add3A_11 = arith.addf %add3A, %get3A_10 : vector<10000x128xf32>
    %mul3A = vector.broadcast %get3A_1 : vector<10000x1xf32> to vector<10000x128xf32>
    %mul3A_12 = arith.mulf %mul3A, %add3A_11 : vector<10000x128xf32>
    %get3A_13 = arith.constant 0 : index
    %get3A_14 = arith.constant 0 : index
    %get3A_15 = vector.load %arg4[%get3A_13, %get3A_14] : memref<1x128xf32, #tpu.memory_space<vmem>>, vector<1x128xf32>
    %add3A_16 = vector.broadcast %get3A_15 : vector<1x128xf32> to vector<10000x128xf32>
    %add3A_17 = arith.addf %mul3A_12, %add3A_16 : vector<10000x128xf32>
    %max3A = arith.constant 0.000000e+00 : f32
    %max3A_18 = vector.broadcast %max3A : f32 to vector<10000x128xf32>
    %max3A_19 = arith.maximumf %add3A_17, %max3A_18 : vector<10000x128xf32>
    %get3A_20 = arith.constant 0 : index
    %get3A_21 = arith.constant 0 : index
    %get3A_22 = vector.load %arg5[%get3A_20, %get3A_21] : memref<128x128xf32, #tpu.memory_space<vmem>>, vector<128x128xf32>
    %get3A_23 = arith.constant 0 : index
    %get3A_24 = arith.constant 0 : index
    %get3A_25 = vector.load %arg6[%get3A_23, %get3A_24] : memref<128x1xf32, #tpu.memory_space<vmem>>, vector<128x1xf32>
    %dot_general3A = arith.constant dense<0.000000e+00> : vector<128x1xf32>
    %dot_general3A_26 = tpu.matmul %get3A_22, %get3A_25, %dot_general3A {dimension_numbers = #tpu.dot_dimension_numbers<[1], [0], [0], [1], [0, 0, 1, 1], [], []>, transpose_lhs_hint = false} : vector<128x128xf32>, vector<128x1xf32>, vector<128x1xf32> -> vector<128x1xf32>
    %dot_general3A_27 = arith.constant dense<0.000000e+00> : vector<10000x1xf32>
    %dot_general3A_28 = tpu.matmul %max3A_19, %dot_general3A_26, %dot_general3A_27 {dimension_numbers = #tpu.dot_dimension_numbers<[1], [0], [0], [1], [0, 0, 1, 1], [], []>, transpose_lhs_hint = false} : vector<10000x128xf32>, vector<128x1xf32>, vector<10000x1xf32> -> vector<10000x1xf32>
    %mul3A_29 = arith.mulf %get3A_1, %dot_general3A_28 : vector<10000x1xf32>
    %swap3A = arith.constant 0 : index
    %swap3A_30 = arith.constant 0 : index
    %swap3A_31 = vector.load %arg7[%swap3A, %swap3A_30] : memref<10000x1xf32, #tpu.memory_space<vmem>>, vector<10000x1xf32>
    tpu.vector_store %arg7[%swap3A, %swap3A_30], %mul3A_29 {strides = array<i32>} : memref<10000x1xf32, #tpu.memory_space<vmem>>, vector<10000x1xf32>,
    return
  }
}

module attributes {stable_mosaic.version = 14 : i64} {
  func.func @_pool_body(%arg0: memref<10000x1xf32, #tpu.memory_space<vmem>>, %arg1: memref<10000x1xf32, #tpu.memory_space<vmem>>, %arg2: memref<10000x1xf32, #tpu.memory_space<vmem>>, %arg3: memref<10000x1xf32, #tpu.memory_space<vmem>>, %arg4: memref<10000x1xi32, #tpu.memory_space<vmem>>, %arg5: memref<1x128xf32, #tpu.memory_space<vmem>>, %arg6: memref<128x1xf32, #tpu.memory_space<vmem>>, %arg7: memref<1x1xf32, #tpu.memory_space<vmem>>, %arg8: memref<256x1xf32, #tpu.memory_space<vmem>>) attributes {dimension_semantics = [], scalar_prefetch = 0 : i64, scratch_operands = 0 : i64, tpu.core_type = #tpu.core_type<tc>} {
    %get3A = arith.constant 0 : index
    %get3A_0 = arith.constant 0 : index
    %get3A_1 = vector.load %arg3[%get3A, %get3A_0] : memref<10000x1xf32, #tpu.memory_space<vmem>>, vector<10000x1xf32>
    %get3A_2 = arith.constant 0 : index
    %get3A_3 = arith.constant 0 : index
    %get3A_4 = vector.load %arg5[%get3A_2, %get3A_3] : memref<1x128xf32, #tpu.memory_space<vmem>>, vector<1x128xf32>
    %get3A_5 = arith.constant 0 : index
    %get3A_6 = arith.constant 0 : index
    %get3A_7 = vector.load %arg6[%get3A_5, %get3A_6] : memref<128x1xf32, #tpu.memory_space<vmem>>, vector<128x1xf32>
    %dot_general3A = arith.constant dense<0.000000e+00> : vector<1x1xf32>
    %dot_general3A_8 = tpu.matmul %get3A_4, %get3A_7, %dot_general3A {dimension_numbers = #tpu.dot_dimension_numbers<[1], [0], [0], [1], [0, 0, 1, 1], [], []>, transpose_lhs_hint = false} : vector<1x128xf32>, vector<128x1xf32>, vector<1x1xf32> -> vector<1x1xf32>
    %get3A_9 = arith.constant 0 : index
    %get3A_10 = arith.constant 0 : index
    %get3A_11 = vector.load %arg0[%get3A_9, %get3A_10] : memref<10000x1xf32, #tpu.memory_space<vmem>>, vector<10000x1xf32>
    %get3A_12 = arith.constant 0 : index
    %get3A_13 = arith.constant 0 : index
    %get3A_14 = vector.load %arg1[%get3A_12, %get3A_13] : memref<10000x1xf32, #tpu.memory_space<vmem>>, vector<10000x1xf32>
    %add3A = arith.addf %get3A_11, %get3A_14 : vector<10000x1xf32>
    %mul3A = arith.mulf %get3A_1, %add3A : vector<10000x1xf32>
    %get3A_15 = arith.constant 0 : index
    %get3A_16 = arith.constant 0 : index
    %get3A_17 = vector.load %arg2[%get3A_15, %get3A_16] : memref<10000x1xf32, #tpu.memory_space<vmem>>, vector<10000x1xf32>
    %mul3A_18 = arith.mulf %get3A_1, %get3A_17 : vector<10000x1xf32>
    %add3A_19 = arith.addf %mul3A, %mul3A_18 : vector<10000x1xf32>
    %add3A_20 = vector.broadcast %dot_general3A_8 : vector<1x1xf32> to vector<10000x1xf32>
    %add3A_21 = arith.addf %add3A_19, %add3A_20 : vector<10000x1xf32>
    %iota3A = tpu.iota {dimensions = array<i32: 1>} : vector<10000x256xi32>
    %get3A_22 = arith.constant 0 : index
    %get3A_23 = arith.constant 0 : index
    %get3A_24 = vector.load %arg4[%get3A_22, %get3A_23] : memref<10000x1xi32, #tpu.memory_space<vmem>>, vector<10000x1xi32>
    %eq3A = vector.broadcast %get3A_24 : vector<10000x1xi32> to vector<10000x256xi32>
    %eq3A_25 = arith.cmpi eq, %eq3A, %iota3A : vector<10000x256xi32>
    %convert_element_type3A = arith.extui %eq3A_25 : vector<10000x256xi1> to vector<10000x256xi32>
    %convert_element_type3A_26 = arith.sitofp %convert_element_type3A : vector<10000x256xi32> to vector<10000x256xf32>
    %dot_general3A_27 = arith.constant dense<0.000000e+00> : vector<256x1xf32>
    %dot_general3A_28 = tpu.matmul %convert_element_type3A_26, %add3A_21, %dot_general3A_27 {dimension_numbers = #tpu.dot_dimension_numbers<[0], [0], [1], [1], [0, 1, 1, 1], [], []>, transpose_lhs_hint = false} : vector<10000x256xf32>, vector<10000x1xf32>, vector<256x1xf32> -> vector<256x1xf32>
    %broadcast_in_dim3A = arith.constant 1.000000e+00 : f32
    %broadcast_in_dim3A_29 = vector.broadcast %broadcast_in_dim3A : f32 to vector<10000x1xf32>
    %dot_general3A_30 = arith.constant dense<0.000000e+00> : vector<256x1xf32>
    %dot_general3A_31 = tpu.matmul %convert_element_type3A_26, %broadcast_in_dim3A_29, %dot_general3A_30 {dimension_numbers = #tpu.dot_dimension_numbers<[0], [0], [1], [1], [0, 1, 1, 1], [], []>, transpose_lhs_hint = false} : vector<10000x256xf32>, vector<10000x1xf32>, vector<256x1xf32> -> vector<256x1xf32>
    %max3A = arith.constant 1.000000e+00 : f32
    %max3A_32 = vector.broadcast %max3A : f32 to vector<256x1xf32>
    %max3A_33 = arith.maximumf %dot_general3A_31, %max3A_32 : vector<256x1xf32>
    %div3A = arith.divf %dot_general3A_28, %max3A_33 : vector<256x1xf32>
    %get3A_34 = arith.constant 0 : index
    %get3A_35 = arith.constant 0 : index
    %get3A_36 = vector.load %arg7[%get3A_34, %get3A_35] : memref<1x1xf32, #tpu.memory_space<vmem>>, vector<1x1xf32>
    %add3A_37 = vector.broadcast %get3A_36 : vector<1x1xf32> to vector<256x1xf32>
    %add3A_38 = arith.addf %div3A, %add3A_37 : vector<256x1xf32>
    %swap3A = arith.constant 0 : index
    %swap3A_39 = arith.constant 0 : index
    %swap3A_40 = vector.load %arg8[%swap3A, %swap3A_39] : memref<256x1xf32, #tpu.memory_space<vmem>>, vector<256x1xf32>
    tpu.vector_store %arg8[%swap3A, %swap3A_39], %add3A_38 {strides = array<i32>} : memref<256x1xf32, #tpu.memory_space<vmem>>, vector<256x1xf32>,
    return
  }
}

</mosaic_0001>

<sc_bundles>
// kernel: kernel.11.cloned.1.call-start
scs
__scs_entry_jumppad:
0x0: {  	(pc) =	sbr.rel $0x88, $3  }
0x1: {  	(tag) =	ssettag $0x0;
	lr =	simm.s32 $0x1  }
0x2: {  	[smem:$0x3F98] =	sst lr;
	_ =	strace $0xD0000000  }
0x3: {  	_ = 	snop  }
0x4: {  	_ = 	snop  }
0x5: {  	_ = 	snop  }
0x6: {  	_ = 	snop  }
0x7: {  	_ = 	snop  }
__scs_overlays_trampoline_lowered:
0x8: {  	[smem:$0x3FA7] =	sst s0  }
0x9: {  	[smem:$0x3FA8] =	sst s1  }
0xa: {  	[smem:$0x3FA9] =	sst s2  }
0xb: {  	[smem:$0x3FAA] =	sst s3  }
0xc: {  	[smem:$0x3FAB] =	sst s4  }
0xd: {  	[smem:$0x3FAC] =	sst s5  }
0xe: {  	[smem:$0x3FAD] =	sst s6  }
0xf: {  	[smem:$0x3FAE] =	sst s7  }
0x10: {  	[smem:$0x3FAF] =	sst s8  }
0x11: {  	[smem:$0x3FB0] =	sst s9;
	s0 =	simm.s32 @!p0 $0x0  }
0x12: {  	s1 =	sld [smem:$0x3F96];
	s0 =	simm.s32 @p0 $0x1  }
0x13: {  	[smem:$0x3FB1] =	sst s0;
	s0 =	simm.s32 @!p1 $0x0  }
0x14: {  	s2 =	sld [smem:$0x3F95];
	s0 =	simm.s32 @p1 $0x1  }
0x15: {  	[smem:$0x3FB2] =	sst s0;
	s0 =	simm.s32 @!p2 $0x0  }
0x16: {  	s3 =	sld [smem:$0x3FDB];
	s0 =	simm.s32 @p2 $0x1  }
0x17: {  	s4 =	simm.s32 $0x1BF5;
	[smem:$0x3FB4] =	sst s0  }
0x18: {  	s0 =	sld [smem:$0x3F97];
	_ =	swait.ge [sflag:s4], $0x0  }
0x19: {  	s7 =	sld [smem:$0x3F98]  }
0x1a: {  	s8 =	sadd.s32 $0xFFFFE003, lr  }
0x1b: {  	s9 =	sadd.s32 $0xFFFFFEF7, lr;
	s5 =	simm.s32 $0xFFFFFFFF;
	p2 =	slt.u32 s8, $0xFFFFF086  }
0x1c: {  	p1 =	slt.u32 s9, $0xF7A;
	s5 =	simm.s32 @!p2 $0x0  }
0x1d: {  	s5 =	simm.s32 @p1 $0x1;
	p0 =	seq.s32 s7, s2  }
0x1e: {  	s7 =	smul.u32 @!p0 $0xF7A, s2;
	p2 =	seq.s32 @!p0 s5, $0x0  }
0x1f: {  	s9 =	smul.u32 $0xF7A, s1;
	s8 =	simm.s32 @!p0 $0x1BF5;
	p2 =	por !p2, p0  }
0x20: {  	[sflag:s8] =	ssyncset.s32 @!p0 $0xFFFFF086;
	s6 =	sadd.s32 @!p0 s3, s7;
	s7 =	simm.s32 @!p0 $0x108  }
0x21: {  	s3 =	sadd.s32 s3, s9;
	s6 =	sadd.s32 @!p0 $0x88, s6;
	s7 =	simm.s32 @p2 $0x1082  }
0x22: {  	[simem:s7], [sflag:s8] =	dma.local @!p0 [hbm:s6], $0xF7A  }
0x23: {  	s9 =	sor.u32 $0xD0000000, s2;
	s6 =	simm.s32 $0x108;
	_ =	swait.ge @!p0 [sflag:s8], $0x0  }
0x24: {  	s3 =	sadd.s32 $0x88, s3;
	s6 =	simm.s32 @!p1 $0x1082;
	[sflag:s4] =	ssyncset.s32 $0xFFFFF086  }
0x25: {  	[simem:s6], [sflag:s4] =	dma.local [hbm:s3], $0xF7A  }
0x26: {  	[smem:$0x3F98] =	sst s1;
	(tag) =	ssettag s2;
	_ =	strace s9  }
0x27: {  	s1 =	sld [smem:$0x3FA8]  }
0x28: {  	s2 =	sld [smem:$0x3FA9]  }
0x29: {  	s4 =	sld [smem:$0x3FAB]  }
0x2a: {  	p0 =	seq.s32 s5, $0x0;
	s5 =	sld [smem:$0x3FAC]  }
0x2b: {  	s6 =	sld [smem:$0x3FAD]  }
0x2c: {  	s7 =	sld [smem:$0x3FAE]  }
0x2d: {  	s3 =	simm.s32 $0x108;
	s8 =	sld [smem:$0x3FAF]  }
0x2e: {  	s3 =	simm.s32 @!p0 $0x1082;
	s9 =	sld [smem:$0x3FB0]  }
0x2f: {  	lr =	sadd.s32 s0, s3;
	s0 =	sld [smem:$0x3FA7]  }
0x30: {  	s3 =	sld [smem:$0x3FAA]  }
0x31: {  	[smem:$0x3FB3] =	sst s10  }
0x32: {  	s10 =	sld [smem:$0x3FB1];
	_ =	sdelay $0x3  }
0x33: {  	p0 =	seq.s32 s10, $0x1;
	s10 =	sld [smem:$0x3FB3];
	_ =	sdelay $0x3  }
0x34: {  	[smem:$0x3FB3] =	sst s10  }
0x35: {  	s10 =	sld [smem:$0x3FB2];
	_ =	sdelay $0x3  }
0x36: {  	p1 =	seq.s32 s10, $0x1;
	s10 =	sld [smem:$0x3FB3];
	_ =	sdelay $0x3  }
0x37: {  	[smem:$0x3FB3] =	sst s10  }
0x38: {  	s10 =	sld [smem:$0x3FB4]  }
0x39: {  	_ = 	snop;
	(pc) =	sbr.ind lr, $3  }
0x3a: {  	_ = 	snop  }
0x3b: {  	_ = 	snop  }
0x3c: {  	p2 =	seq.s32 s10, $0x1;
	s10 =	sld [smem:$0x3FB3]  }
0x3d: {  	_ =	shalt  }
0x3e: {  	_ =	shalt  }
0x3f: {  	_ =	shalt  }
0x40: {  	_ =	shalt  }
0x41: {  	_ =	shalt  }
0x42: {  	_ =	shalt  }
0x43: {  	_ =	shalt  }
0x44: {  	_ =	shalt  }
0x45: {  	_ =	shalt  }
0x46: {  	_ =	shalt  }
0x47: {  	_ =	shalt  }
0x48: {  	_ =	shalt  }
0x49: {  	_ =	shalt  }
0x4a: {  	_ =	shalt  }
0x4b: {  	_ =	shalt  }
0x4c: {  	_ =	shalt  }
0x4d: {  	_ =	shalt  }
0x4e: {  	_ =	shalt  }
0x4f: {  	_ =	shalt  }
0x50: {  	_ =	shalt  }
0x51: {  	_ =	shalt  }
0x52: {  	_ =	shalt  }
0x53: {  	_ =	shalt  }
0x54: {  	_ =	shalt  }
0x55: {  	_ =	shalt  }
0x56: {  	_ =	shalt  }
0x57: {  	_ =	shalt  }
0x58: {  	_ =	shalt  }
0x59: {  	_ =	shalt  }
0x5a: {  	_ =	shalt  }
0x5b: {  	_ =	shalt  }
0x5c: {  	_ =	shalt  }
0x5d: {  	_ =	shalt  }
0x5e: {  	_ =	shalt  }
0x5f: {  	_ =	shalt  }
0x60: {  	_ =	shalt  }
0x61: {  	_ =	shalt  }
0x62: {  	_ =	shalt  }
0x63: {  	_ =	shalt  }
0x64: {  	_ =	shalt  }
0x65: {  	_ =	shalt  }
0x66: {  	_ =	shalt  }
0x67: {  	_ =	shalt  }
0x68: {  	_ =	shalt  }
0x69: {  	_ =	shalt  }
0x6a: {  	_ =	shalt  }
0x6b: {  	_ =	shalt  }
0x6c: {  	_ =	shalt  }
0x6d: {  	_ =	shalt  }
0x6e: {  	_ =	shalt  }
0x6f: {  	_ =	shalt  }
0x70: {  	_ =	shalt  }
0x71: {  	_ =	shalt  }
0x72: {  	_ =	shalt  }
0x73: {  	_ =	shalt  }
0x74: {  	_ =	shalt  }
0x75: {  	_ =	shalt  }
0x76: {  	_ =	shalt  }
0x77: {  	_ =	shalt  }
0x78: {  	_ =	shalt  }
0x79: {  	_ =	shalt  }
0x7a: {  	_ =	shalt  }
0x7b: {  	_ =	shalt  }
0x7c: {  	_ =	shalt  }
0x7d: {  	_ =	shalt  }
0x7e: {  	_ =	shalt  }
0x7f: {  	_ =	shalt  }
0x80: {  	_ =	shalt  }
0x81: {  	_ =	shalt  }
0x82: {  	_ =	shalt  }
0x83: {  	_ =	shalt  }
0x84: {  	_ =	shalt  }
0x85: {  	_ =	shalt  }
0x86: {  	_ =	shalt  }
0x87: {  	_ =	shalt  }
.Lfunc_end0:
.L_simem_size_0:
called_computation.1_lowered:
.L_overlay_start_0:
0x88: {  	s2 =	sld [smem:$0x3FD9]  }
0x89: {  	s3 =	sld [smem:$0x3FFE];
	_ =	sdelay $0x1  }
0x8a: {  	s1 =	srdreg.scid  }
0x8b: {  	s0 =	sand.u32 $0x1, s1  }
0x8c: {  	s16 =	sshll.u32 s0, $0xA;
	s2 =	sadd.s32 s3, s2  }
0x8d: {  	s2 =	sadd.s32 s2, s16  }
0x8e: {  	[smem:$0x3FBF] =	sst s2  }
0x8f: {  	_ = 	snop  }
0x90: {  	(tm) =	ssettm $0x1  }
0x91: {  	s17 =	sld [smem:$0x3FFB];
	_ =	sdelay $0x3  }
0x92: {  	_ =	strace s17  }
0x93: {  	s2 =	sld [smem:$0x3FFC];
	_ =	sdelay $0x3  }
0x94: {  	_ =	strace s2  }
0x95: {  	s2 =	sld [smem:$0x3FFD];
	_ =	sdelay $0x3  }
0x96: {  	_ =	strace s2  }
0x97: {  	_ =	strace $0x8FFFFFFF  }
0x98: {  	s18 =	sld [smem:$0x3FDB];
	_ =	sdelay $0x1  }
0x99: {  	s19 =	simm.s32 $_scs_section_size  }
0x9a: {  	s4 =	simm.s32 $_size__tile_overlayer_lowered;
	s5 =	simm.s32 $_tile_overlayer_lowered  }
0x9b: {  	s22 =	simm.s32 $0x1BFF;
	s21 =	sshll.u32 s5, $0x1;
	s2 =	sadd.s32 s19, s18  }
0x9c: {  	s6 =	simm.s32 $0x0;
	s20 =	sshll.u32 s4, $0x1;
	s4 =	sadd.s32 s21, s2  }
0x9d: {  	[timem:s6], [sflag:s22] =	dma.local [hbm:s4], s20  }
0x9e: {  	_ =	swait.ge [sflag:s22], s20  }
0x9f: {  	s3 =	ssub.s32 $0x0, s20;
	[sflag:s22] =	ssyncset.done $0x0  }
0xa0: {  	[sflag:s22] =	ssyncadd.s32 s3;
	_ =	sdelay $0x1  }
0xa1: {  	s23 =	simm.s32 $0x1B8B  }
0xa2: {  	_ =	swait.ge [sflag:s23], $0x1  }
0xa3: {  	[sflag:s23] =	ssyncset.done $0x0  }
0xa4: {  	s25 =	simm.s32 $0x1B8E;
	s24 =	sld [smem:$0x3FFE];
	[sflag:s23] =	ssyncadd.s32 $0xFFFFFFFF  }
0xa5: {  	s26 =	simm.s32 $execute0_lowered;
	[smem:$0x3FD2] =	sst s25  }
0xa6: {  	s4 =	sshll.u32 s26, $0x1;
	_ =	strace $0x80000049;
	[dreg:$0x1] =	wrdreg $0xFFFFFFFF  }
0xa7: {  	s28 =	simm.s32 $_size_execute0_lowered;
	s2 =	sadd.s32 s2, s4;
	[dreg:$0x0] =	wrdreg $0x0  }
0xa8: {  	s4 =	sshll.u32 s28, $0x1;
	[dreg:$0x2] =	wrdreg s2  }
0xa9: {  	[dreg:$0x3] =	wrdreg s4  }
0xaa: {  	[dreg:$0x4] =	wrdreg $0xC0  }
0xab: {  	_ =	task [dreg:s6], $0x5FFFF  }
0xac: {  	[dreg:$0x1] =	wrdreg $0xFFFFFFFF  }
0xad: {  	[dreg:$0x0] =	wrdreg $0x60  }
0xae: {  	[dreg:$0x2] =	wrdreg s24  }
0xaf: {  	[dreg:$0x3] =	wrdreg $0xB7000  }
0xb0: {  	[dreg:$0x4] =	wrdreg $0x9  }
0xb1: {  	_ =	task.clear_ibuf [dreg:s6], $0x5FFFF;
	_ =	strace $0x90000049  }
0xb2: {  	s29 =	simm.s32 $0x9;
	_ =	strace $0x8000004B  }
0xb3: {  	_ =	swait.ge [sflag:s29], $0x1  }
0xb4: {  	[sflag:s29] =	ssyncadd.s32 $0xFFFFFFFF  }
0xb5: {  	_ =	strace $0x9000004B  }
0xb6: {  	_ =	sfence  }
0xb7: {  	s30 =	sld [smem:$0x0];
	_ =	sdelay $0x2  }
0xb8: {  	s31 =	sshll.u32 s1, $0xD;
	s1 =	sshrl.u32 s1, $0x2  }
0xb9: {  	s3 =	sand.u32 $0x4000, s31;
	s1 =	sadd.s32 s1, s30  }
0xba: {  	s0 =	sor.u32 s3, s0;
	s1 =	sshll.u32 s1, $0x11  }
0xbb: {  	s0 =	sor.u32 s1, s0  }
0xbc: {  	s0 =	sadd.s32 $0x8F2B, s0  }
0xbd: {  	[sflag:s0] =	ssyncadd.remote.s32 $0x1  }
0xbe: {  	_ =	sfence.sel $0xFFFF  }
0xbf: {  	[dreg:$0x0] =	wrdreg $0xFFFFFFFF;
	(pc) =	sbr.abs _section_cstart, $3  }
0xc0: {  	[dreg:$0x1] =	wrdreg $0xFFFFFFFF  }
0xc1: {  	_ =	task.clear_ibuf [dreg:s6], $0x2FFFF;
	_ =	strace $0x9FFFFFFF  }
0xc2: {  	(tm) =	ssettm $0x7FFFFFFF  }
0xc3: {  	_ =	shalt  }
tec
execute0_lowered:
.L_overlay_start_1:
0x0: {  	(tag) =	ssettag $0x1  }
0x1: {  	s0 =	rddreg [dreg:$0x0]  }
0x2: {  	s1 =	rddreg [dreg:$0x1];
	s2 =	srdreg.scid  }
0x3: {  	s3 =	simm.s32 $0x0;
	s6 =	stileid.u32;
	s28 =	simm.s32 $0x100  }
0x4: {  	s29 =	simm.s32 $0x280;
	s30 =	simm.s32 $0x7;
	s31 =	simm.s32 $0x78  }
0x5: {  	s2 =	sand.u32 $0x1, s2;
	[smem:$0x7FF] =	sst s3;
	s7 =	smul.u32 $0x14000, s6  }
0x6: {  	s4 =	sadd.s32 $0x2B400, s0;
	s10 =	sadd.s32 $0x17800, s0;
	s11 =	sadd.s32 $0x21600, s0  }
0x7: {  	s8 =	sadd.s32 $0x79800, s0;
	s23 =	sshll.u32 s6, $0x1;
	s24 =	smul.u32 $0x50000, s6  }
0x8: {  	s26 =	sshll.u32 s6, $0x6;
	s12 =	smul.u32 $0x4EC0, s6;
	s6 =	simm.s32 $0xD  }
0x9: {  	s5 =	smul.u32 $0x140000, s2;
	_ =	strace $0x8000004A;
	s25 =	ssub.s32 $0x2, s2  }
0xa: {  	[dreg:$0x3] =	wrdreg s8;
	s18 =	sor.u32 $0x1C0D, s26;
	s9 =	sshrl.u32 s25, $0x1  }
0xb: {  	s8 =	sshrl.u32 s24, $0x2;
	[dreg:$0x5] =	wrdreg s18;
	s5 =	sadd.s32 s7, s5  }
0xc: {  	s7 =	sor.u32 s2, s23;
	s8 =	sadd.s32 s8, s1;
	s2 =	smul.u32 $0x2760, s2  }
0xd: {  	s5 =	sshrl.u32 s5, $0x3;
	s7 =	smul.u32 $0x2760, s7;
	[dreg:$0x4] =	wrdreg s8  }
0xe: {  	s0 =	sadd.s32 s5, s0;
	s5 =	ssub.s32 s25, s9;
	s2 =	sadd.s32 s2, s12  }
0xf: {  	s12 =	simm.s32 $0xA;
	s9 =	sadd.s32 $0x78, s7;
	s7 =	sshrl.u32 s7, $0x3  }
0x10: {  	s20 =	sadd.s32 $0x258, s2;
	s0 =	sadd.s32 $0x7C000, s0;
	s22 =	sadd.s32 $0x1E0, s2  }
0x11: {  	s5 =	smax.u32 s5, $0x1;
	s26 =	sadd.s32 $0x168, s2;
	s2 =	simm.s32 $0x8  }
0x12: {  	s8 =	sshrl.u32 s9, $0x3;
	s13 =	sadd.s32 s10, s7;
	[dreg:$0xc] =	wrdreg s0  }
0x13: {  	s14 =	sadd.s32 s11, s7;
	s7 =	sadd.s32 $0x1E, s7;
	[dreg:$0xd] =	wrdreg s5  }
0x14: {  	s21 =	sshrl.u32 s20, $0x3;
	s24 =	sshrl.u32 s22, $0x3;
	[dreg:$0x11] =	wrdreg s26  }
0x15: {  	s20 =	smov.u32 s11;
	s26 =	simm.s32 $0x200;
	[dreg:$0x6] =	wrdreg s13  }
0x16: {  	s22 =	simm.s32 $0xC;
	s9 =	simm.s32 $0x6;
	[dreg:$0x7] =	wrdreg s14  }
0x17: {  	s15 =	sadd.s32 s10, s8;
	s16 =	sadd.s32 s11, s8;
	s17 =	sadd.s32 s10, s7  }
0x18: {  	s19 =	sadd.s32 s11, s7;
	s23 =	sadd.s32 s21, s11;
	[dreg:$0x8] =	wrdreg s15  }
0x19: {  	s0 =	sadd.s32 s21, s10;
	s25 =	sadd.s32 s24, s11;
	[dreg:$0x9] =	wrdreg s16  }
0x1a: {  	s21 =	sadd.s32 s24, s10;
	s24 =	simm.s32 $0x180;
	[dreg:$0xa] =	wrdreg s17  }
0x1b: {  	s7 =	simm.s32 $0x3F00;
	s8 =	simm.s32 $0x9;
	[dreg:$0xb] =	wrdreg s19  }
.Ltmp0:
0x1c: {  	s11 =	simm.s32 $0x1;
	[dreg:$0xe] =	wrdreg s23;
	(pc) =	sbr.rel .LBB2_1-.Ltmp0, $4  }
0x1d: {  	s13 =	simm.s32 $0x4;
	s14 =	simm.s32 $0x2;
	[dreg:$0xf] =	wrdreg s0  }
0x1e: {  	[dreg:$0x10] =	wrdreg s25;
	s19 =	smov.u32 s10;
	s25 =	simm.s32 $0x80  }
0x1f: {  	s0 =	simm.s32 $0x300;
	s10 =	simm.s32 $0x7B00;
	s15 =	simm.s32 $0xB  }
0x20: {  	s16 =	simm.s32 $0x5;
	s17 =	simm.s32 $0x3;
	s23 =	simm.s32 $0x0  }
.LBB2_4:
0x21: {  	[bflag:$0x0] =	sbarrier.arrive $0xFFFF  }
0x22: {  	s18 =	rddreg [dreg:$0x5]  }
0x23: {  	s5 =	rddreg [dreg:$0xc]  }
0x24: {  	s6 =	rddreg [dreg:$0x13]  }
0x25: {  	[hbm:s5], [sflag:s18] =	dma.local [spmem:s6], $0x2800  }
0x26: {  	s6 =	simm.s32 $0xD  }
0x27: {  	_ =	swait.ge [sflag:s6], $0x2800  }
0x28: {  	s23 =	rddreg [dreg:$0x12]  }
0x29: {  	s5 =	rddreg [dreg:$0xd];
	s23 =	sadd.s32 $0x1, s23  }
0x2a: {  	p0 =	sne.s32 s23, s5  }
.Ltmp1:
0x2b: {  	_ = 	snop;
	(pc) =	sbr.rel @!p0 .LBB2_5-.Ltmp1, $3  }
0x2c: {  	_ =	sdelay $0x1  }
0x2d: {  	[sflag:s6] =	ssyncset.done $0x0  }
0x2e: {  	[sflag:s6] =	ssyncadd.s32 $0xFFFFD800  }
.LBB2_1:
0x2f: {  	[dreg:$0x12] =	wrdreg s23  }
0x30: {  	s5 =	rddreg [dreg:$0x4]  }
0x31: {  	s23 =	sshrl.u32 s5, $0x3;
	s5 =	rddreg [dreg:$0x3]  }
0x32: {  	[dreg:$0x13] =	wrdreg s23  }
0x33: {  	[spmem:s23], [sflag:s18] =	dma.local [hbm:s5], $0x2800  }
0x34: {  	_ =	swait.ge [sflag:s6], $0x2800  }
0x35: {  	[sflag:s6] =	ssyncset.done $0x0  }
0x36: {  	[sflag:s6] =	ssyncadd.s32 $0xFFFFD800  }
0x37: {  	[bflag:$0x0] =	sbarrier.arrive $0xFFFF  }
0x38: {  	s6 =	rddreg [dreg:$0x6]  }
0x39: {  	[tilespmem:s3], [sflag:$0x7] =	stream.linear.gather [hbm4b:s6+s3], $0x78, $0x38;
	[tilespmem:$0x1F700] =	vst v63  }
0x3a: {  	s18 =	rddreg [dreg:$0x7]  }
0x3b: {  	[tilespmem:s24], [sflag:$0xA] =	stream.linear.gather [hbm4b:s18+s3], $0x78, $0x38;
	[tilespmem:$0x1F700] =	vst v63  }
0x3c: {  	s23 =	rddreg [dreg:$0x8]  }
0x3d: {  	[tilespmem:s25], [sflag:$0x8] =	stream.linear.gather [hbm4b:s23+s3], $0x78, $0x38;
	[tilespmem:$0x1F700] =	vst v63  }
0x3e: {  	s6 =	rddreg [dreg:$0x9]  }
0x3f: {  	[tilespmem:s26], [sflag:$0xB] =	stream.linear.gather [hbm4b:s6+s3], $0x78, $0x38;
	[tilespmem:$0x1F700] =	vst v63  }
0x40: {  	s18 =	rddreg [dreg:$0xa]  }
0x41: {  	[tilespmem:s28], [sflag:$0x9] =	stream.linear.gather [hbm4b:s18+s3], $0x78, $0x38;
	[tilespmem:$0x1F700] =	vst v63  }
0x42: {  	s23 =	rddreg [dreg:$0xb]  }
0x43: {  	[tilespmem:s29], [sflag:$0xC] =	stream.linear.gather [hbm4b:s23+s3], $0x78, $0x38;
	[tilespmem:$0x1F700] =	vst v63  }
0x44: {  	_ =	swait.ge [sflag:s30], $0x78  }
0x45: {  	[sflag:s30] =	ssyncset.done $0x0  }
0x46: {  	[sflag:s30] =	ssyncadd.s32 $0xFFFFFF88  }
0x47: {  	[tilespmem:s0], [sflag:$0x1] =	stream.indirect.gather [hbm4b:s4+s31], $0x80, s3, s31, $0xb8;
	[tilespmem:$0x1F700] =	vst v63  }
0x48: {  	_ =	swait.ge [sflag:s2], $0x78  }
0x49: {  	[sflag:s2] =	ssyncset.done $0x0  }
0x4a: {  	[sflag:s2] =	ssyncadd.s32 $0xFFFFFF88  }
0x4b: {  	[tilespmem:s7], [sflag:$0x2] =	stream.indirect.gather [hbm4b:s4+s31], $0x80, s25, s31, $0xb8;
	[tilespmem:$0x1F700] =	vst v63  }
0x4c: {  	_ =	swait.ge [sflag:s8], $0x78  }
0x4d: {  	[sflag:s8] =	ssyncset.done $0x0  }
0x4e: {  	s5 =	simm.s32 $0x0;
	s23 =	rddreg [dreg:$0x11];
	[sflag:s8] =	ssyncadd.s32 $0xFFFFFF88  }
0x4f: {  	[tilespmem:s10], [sflag:$0x3] =	stream.indirect.gather [hbm4b:s4+s31], $0x80, s28, s31, $0xb8;
	[tilespmem:$0x1F700] =	vst v63  }
.LBB2_2:
0x50: {  	_ =	swait.ge [sflag:s11], $0x3C00  }
0x51: {  	[sflag:s11] =	ssyncset.done $0x0  }
0x52: {  	[sflag:s11] =	ssyncadd.s32 $0xFFFFC400  }
0x53: {  	_ =	swait.ge [sflag:s12], $0x78  }
0x54: {  	[sflag:s12] =	ssyncset.done $0x0  }
0x55: {  	[sflag:s12] =	ssyncadd.s32 $0xFFFFFF88  }
0x56: {  	[spmem:s1] =	stream.indirect.scatter.add.f32 [tilespmem:s0], [sflag:$0x4], $0x80, s24, s31, $0xb8;
	[tilespmem:$0x1F700] =	vst v63  }
0x57: {  	_ =	swait.ge [sflag:s13], $0x3C00  }
0x58: {  	[sflag:s13] =	ssyncset.done $0x0  }
0x59: {  	[sflag:s13] =	ssyncadd.s32 $0xFFFFC400  }
0x5a: {  	_ =	swait.ge [sflag:s14], $0x3C00  }
0x5b: {  	[sflag:s14] =	ssyncset.done $0x0  }
0x5c: {  	[sflag:s14] =	ssyncadd.s32 $0xFFFFC400  }
0x5d: {  	_ =	swait.ge [sflag:s15], $0x78  }
0x5e: {  	[sflag:s15] =	ssyncset.done $0x0  }
0x5f: {  	[sflag:s15] =	ssyncadd.s32 $0xFFFFFF88  }
0x60: {  	[spmem:s1] =	stream.indirect.scatter.add.f32 [tilespmem:s7], [sflag:$0x5], $0x80, s26, s31, $0xb8;
	[tilespmem:$0x1F700] =	vst v63  }
0x61: {  	_ =	swait.ge [sflag:s16], $0x3C00  }
0x62: {  	[sflag:s16] =	ssyncset.done $0x0  }
0x63: {  	[sflag:s16] =	ssyncadd.s32 $0xFFFFC400  }
0x64: {  	_ =	swait.ge [sflag:s17], $0x3C00  }
0x65: {  	[sflag:s17] =	ssyncset.done $0x0  }
0x66: {  	[sflag:s17] =	ssyncadd.s32 $0xFFFFC400  }
0x67: {  	_ =	swait.ge [sflag:s22], $0x78  }
0x68: {  	p0 =	seq.s32 s5, $0x4BF;
	[sflag:s22] =	ssyncset.done $0x0  }
.Ltmp2:
0x69: {  	[sflag:s22] =	ssyncadd.s32 $0xFFFFFF88;
	(pc) =	sbr.rel @p0 .LBB2_4-.Ltmp2, $4  }
0x6a: {  	[spmem:s1] =	stream.indirect.scatter.add.f32 [tilespmem:s10], [sflag:$0x6], $0x80, s29, s31, $0xb8;
	[tilespmem:$0x1F700] =	vst v63  }
0x6b: {  	_ =	swait.ge [sflag:s9], $0x3C00  }
0x6c: {  	[sflag:s9] =	ssyncset.done $0x0  }
0x6d: {  	[sflag:s9] =	ssyncadd.s32 $0xFFFFC400  }
0x6e: {  	s6 =	sshrl.u32 s23, $0x3  }
0x6f: {  	s18 =	sadd.s32 s19, s6  }
0x70: {  	[tilespmem:s3], [sflag:$0x7] =	stream.linear.gather [hbm4b:s18+s3], $0x78, $0x38;
	[tilespmem:$0x1F700] =	vst v63  }
0x71: {  	s6 =	sadd.s32 s20, s6  }
0x72: {  	[tilespmem:s24], [sflag:$0xA] =	stream.linear.gather [hbm4b:s6+s3], $0x78, $0x38;
	[tilespmem:$0x1F700] =	vst v63  }
0x73: {  	_ =	swait.ge [sflag:s30], $0x78  }
0x74: {  	[sflag:s30] =	ssyncset.done $0x0  }
0x75: {  	[sflag:s30] =	ssyncadd.s32 $0xFFFFFF88  }
0x76: {  	[tilespmem:s0], [sflag:$0x1] =	stream.indirect.gather [hbm4b:s4+s31], $0x80, s3, s31, $0xb8;
	[tilespmem:$0x1F700] =	vst v63  }
0x77: {  	s18 =	sadd.s32 s5, s21  }
0x78: {  	[tilespmem:s25], [sflag:$0x8] =	stream.linear.gather [hbm4b:s18+s3], $0x78, $0x38;
	[tilespmem:$0x1F700] =	vst v63  }
0x79: {  	s18 =	rddreg [dreg:$0x10]  }
0x7a: {  	s6 =	sadd.s32 s5, s18  }
0x7b: {  	[tilespmem:s26], [sflag:$0xB] =	stream.linear.gather [hbm4b:s6+s3], $0x78, $0x38;
	[tilespmem:$0x1F700] =	vst v63  }
0x7c: {  	_ =	swait.ge [sflag:s2], $0x78  }
0x7d: {  	[sflag:s2] =	ssyncset.done $0x0  }
0x7e: {  	s18 =	rddreg [dreg:$0xf];
	[sflag:s2] =	ssyncadd.s32 $0xFFFFFF88  }
0x7f: {  	[tilespmem:s7], [sflag:$0x2] =	stream.indirect.gather [hbm4b:s4+s31], $0x80, s25, s31, $0xb8;
	[tilespmem:$0x1F700] =	vst v63  }
0x80: {  	s6 =	sadd.s32 s5, s18;
	s18 =	rddreg [dreg:$0xe]  }
0x81: {  	[tilespmem:s28], [sflag:$0x9] =	stream.linear.gather [hbm4b:s6+s3], $0x78, $0x38;
	[tilespmem:$0x1F700] =	vst v63  }
0x82: {  	s6 =	sadd.s32 s5, s18  }
0x83: {  	[tilespmem:s29], [sflag:$0xC] =	stream.linear.gather [hbm4b:s6+s3], $0x78, $0x38;
	[tilespmem:$0x1F700] =	vst v63  }
.Ltmp3:
0x84: {  	_ = 	snop;
	(pc) =	sbr.rel .LBB2_2-.Ltmp3, $4  }
0x85: {  	_ =	swait.ge [sflag:s8], $0x78  }
0x86: {  	[sflag:s8] =	ssyncset.done $0x0  }
0x87: {  	s23 =	sadd.s32 $0x168, s23;
	s5 =	sadd.s32 $0x2D, s5;
	[sflag:s8] =	ssyncadd.s32 $0xFFFFFF88  }
0x88: {  	[tilespmem:s10], [sflag:$0x3] =	stream.indirect.gather [hbm4b:s4+s31], $0x80, s28, s31, $0xb8;
	[tilespmem:$0x1F700] =	vst v63  }
.LBB2_5:
0x89: {  	_ =	sfence.sel $0x180000  }
0x8a: {  	[bflag:$0x0] =	sbarrier.arrive $0xFFFF  }
0x8b: {  	_ =	strace $0x9000004A  }
0x8c: {  	s0 =	stileid.u32;
	[bflag:$0x2] =	sbarrier.arrive $0xFFFF  }
0x8d: {  	p0 =	sne.s32 s0, $0x0;
	s0 =	rddreg [dreg:$0x2]  }
0x8e: {  	s0 =	sadd.s32 @!p0 $0x100000, s0  }
0x8f: {  	[sflag:s0] =	ssyncadd.tile.s32 @!p0 $0x1;
	_ =	shalt  }
.Lfunc_end2:
_tile_overlayer_lowered:
.L_overlay_start_2:
0x90: {  	(tag) =	ssettag $0x2  }
0x91: {  	s0 =	rddreg [dreg:$0x0];
	s2 =	stileid.u32  }
0x92: {  	s1 =	rddreg [dreg:$0x1];
	p0 =	sne.s32 s2, $0x0  }
0x93: {  	s3 =	rddreg [dreg:$0x2];
	[bflag:$0x3] =	sbarrier.arrive $0xFFFF;
	s2 =	simm.s32 @!p0 $0x1C0D  }
0x94: {  	[timem:s3], [sflag:s2] =	dma.local @!p0 [hbm:s0], s1  }
0x95: {  	s0 =	simm.s32 @!p0 $0xD  }
0x96: {  	_ =	swait.ge @!p0 [sflag:s0], s1  }
0x97: {  	s1 =	ssub.s32 @!p0 $0x0, s1;
	[sflag:s0] =	ssyncset.done @!p0 $0x0  }
0x98: {  	[sflag:s0] =	ssyncadd.s32 @!p0 s1  }
0x99: {  	[bflag:$0x3] =	sbarrier.arrive $0xFFFF  }
0x9a: {  	_ =	shalt  }

// kernel: kernel.14.cloned.1.call-start
scs
__scs_entry_jumppad:
0x0: {  	(pc) =	sbr.rel $0x88, $3  }
0x1: {  	(tag) =	ssettag $0x0;
	lr =	simm.s32 $0x1  }
0x2: {  	[smem:$0x3F98] =	sst lr;
	_ =	strace $0xD0000000  }
0x3: {  	_ = 	snop  }
0x4: {  	_ = 	snop  }
0x5: {  	_ = 	snop  }
0x6: {  	_ = 	snop  }
0x7: {  	_ = 	snop  }
__scs_overlays_trampoline_lowered:
0x8: {  	[smem:$0x3FA7] =	sst s0  }
0x9: {  	[smem:$0x3FA8] =	sst s1  }
0xa: {  	[smem:$0x3FA9] =	sst s2  }
0xb: {  	[smem:$0x3FAA] =	sst s3  }
0xc: {  	[smem:$0x3FAB] =	sst s4  }
0xd: {  	[smem:$0x3FAC] =	sst s5  }
0xe: {  	[smem:$0x3FAD] =	sst s6  }
0xf: {  	[smem:$0x3FAE] =	sst s7  }
0x10: {  	[smem:$0x3FAF] =	sst s8  }
0x11: {  	[smem:$0x3FB0] =	sst s9;
	s0 =	simm.s32 @!p0 $0x0  }
0x12: {  	s1 =	sld [smem:$0x3F96];
	s0 =	simm.s32 @p0 $0x1  }
0x13: {  	[smem:$0x3FB1] =	sst s0;
	s0 =	simm.s32 @!p1 $0x0  }
0x14: {  	s2 =	sld [smem:$0x3F95];
	s0 =	simm.s32 @p1 $0x1  }
0x15: {  	[smem:$0x3FB2] =	sst s0;
	s0 =	simm.s32 @!p2 $0x0  }
0x16: {  	s3 =	sld [smem:$0x3FDB];
	s0 =	simm.s32 @p2 $0x1  }
0x17: {  	s4 =	simm.s32 $0x1BF5;
	[smem:$0x3FB4] =	sst s0  }
0x18: {  	s0 =	sld [smem:$0x3F97];
	_ =	swait.ge [sflag:s4], $0x0  }
0x19: {  	s7 =	sld [smem:$0x3F98]  }
0x1a: {  	s8 =	sadd.s32 $0xFFFFE003, lr  }
0x1b: {  	s9 =	sadd.s32 $0xFFFFFEF7, lr;
	s5 =	simm.s32 $0xFFFFFFFF;
	p2 =	slt.u32 s8, $0xFFFFF086  }
0x1c: {  	p1 =	slt.u32 s9, $0xF7A;
	s5 =	simm.s32 @!p2 $0x0  }
0x1d: {  	s5 =	simm.s32 @p1 $0x1;
	p0 =	seq.s32 s7, s2  }
0x1e: {  	s7 =	smul.u32 @!p0 $0xF7A, s2;
	p2 =	seq.s32 @!p0 s5, $0x0  }
0x1f: {  	s9 =	smul.u32 $0xF7A, s1;
	s8 =	simm.s32 @!p0 $0x1BF5;
	p2 =	por !p2, p0  }
0x20: {  	[sflag:s8] =	ssyncset.s32 @!p0 $0xFFFFF086;
	s6 =	sadd.s32 @!p0 s3, s7;
	s7 =	simm.s32 @!p0 $0x108  }
0x21: {  	s3 =	sadd.s32 s3, s9;
	s6 =	sadd.s32 @!p0 $0x88, s6;
	s7 =	simm.s32 @p2 $0x1082  }
0x22: {  	[simem:s7], [sflag:s8] =	dma.local @!p0 [hbm:s6], $0xF7A  }
0x23: {  	s9 =	sor.u32 $0xD0000000, s2;
	s6 =	simm.s32 $0x108;
	_ =	swait.ge @!p0 [sflag:s8], $0x0  }
0x24: {  	s3 =	sadd.s32 $0x88, s3;
	s6 =	simm.s32 @!p1 $0x1082;
	[sflag:s4] =	ssyncset.s32 $0xFFFFF086  }
0x25: {  	[simem:s6], [sflag:s4] =	dma.local [hbm:s3], $0xF7A  }
0x26: {  	[smem:$0x3F98] =	sst s1;
	(tag) =	ssettag s2;
	_ =	strace s9  }
0x27: {  	s1 =	sld [smem:$0x3FA8]  }
0x28: {  	s2 =	sld [smem:$0x3FA9]  }
0x29: {  	s4 =	sld [smem:$0x3FAB]  }
0x2a: {  	p0 =	seq.s32 s5, $0x0;
	s5 =	sld [smem:$0x3FAC]  }
0x2b: {  	s6 =	sld [smem:$0x3FAD]  }
0x2c: {  	s7 =	sld [smem:$0x3FAE]  }
0x2d: {  	s3 =	simm.s32 $0x108;
	s8 =	sld [smem:$0x3FAF]  }
0x2e: {  	s3 =	simm.s32 @!p0 $0x1082;
	s9 =	sld [smem:$0x3FB0]  }
0x2f: {  	lr =	sadd.s32 s0, s3;
	s0 =	sld [smem:$0x3FA7]  }
0x30: {  	s3 =	sld [smem:$0x3FAA]  }
0x31: {  	[smem:$0x3FB3] =	sst s10  }
0x32: {  	s10 =	sld [smem:$0x3FB1];
	_ =	sdelay $0x3  }
0x33: {  	p0 =	seq.s32 s10, $0x1;
	s10 =	sld [smem:$0x3FB3];
	_ =	sdelay $0x3  }
0x34: {  	[smem:$0x3FB3] =	sst s10  }
0x35: {  	s10 =	sld [smem:$0x3FB2];
	_ =	sdelay $0x3  }
0x36: {  	p1 =	seq.s32 s10, $0x1;
	s10 =	sld [smem:$0x3FB3];
	_ =	sdelay $0x3  }
0x37: {  	[smem:$0x3FB3] =	sst s10  }
0x38: {  	s10 =	sld [smem:$0x3FB4]  }
0x39: {  	_ = 	snop;
	(pc) =	sbr.ind lr, $3  }
0x3a: {  	_ = 	snop  }
0x3b: {  	_ = 	snop  }
0x3c: {  	p2 =	seq.s32 s10, $0x1;
	s10 =	sld [smem:$0x3FB3]  }
0x3d: {  	_ =	shalt  }
0x3e: {  	_ =	shalt  }
0x3f: {  	_ =	shalt  }
0x40: {  	_ =	shalt  }
0x41: {  	_ =	shalt  }
0x42: {  	_ =	shalt  }
0x43: {  	_ =	shalt  }
0x44: {  	_ =	shalt  }
0x45: {  	_ =	shalt  }
0x46: {  	_ =	shalt  }
0x47: {  	_ =	shalt  }
0x48: {  	_ =	shalt  }
0x49: {  	_ =	shalt  }
0x4a: {  	_ =	shalt  }
0x4b: {  	_ =	shalt  }
0x4c: {  	_ =	shalt  }
0x4d: {  	_ =	shalt  }
0x4e: {  	_ =	shalt  }
0x4f: {  	_ =	shalt  }
0x50: {  	_ =	shalt  }
0x51: {  	_ =	shalt  }
0x52: {  	_ =	shalt  }
0x53: {  	_ =	shalt  }
0x54: {  	_ =	shalt  }
0x55: {  	_ =	shalt  }
0x56: {  	_ =	shalt  }
0x57: {  	_ =	shalt  }
0x58: {  	_ =	shalt  }
0x59: {  	_ =	shalt  }
0x5a: {  	_ =	shalt  }
0x5b: {  	_ =	shalt  }
0x5c: {  	_ =	shalt  }
0x5d: {  	_ =	shalt  }
0x5e: {  	_ =	shalt  }
0x5f: {  	_ =	shalt  }
0x60: {  	_ =	shalt  }
0x61: {  	_ =	shalt  }
0x62: {  	_ =	shalt  }
0x63: {  	_ =	shalt  }
0x64: {  	_ =	shalt  }
0x65: {  	_ =	shalt  }
0x66: {  	_ =	shalt  }
0x67: {  	_ =	shalt  }
0x68: {  	_ =	shalt  }
0x69: {  	_ =	shalt  }
0x6a: {  	_ =	shalt  }
0x6b: {  	_ =	shalt  }
0x6c: {  	_ =	shalt  }
0x6d: {  	_ =	shalt  }
0x6e: {  	_ =	shalt  }
0x6f: {  	_ =	shalt  }
0x70: {  	_ =	shalt  }
0x71: {  	_ =	shalt  }
0x72: {  	_ =	shalt  }
0x73: {  	_ =	shalt  }
0x74: {  	_ =	shalt  }
0x75: {  	_ =	shalt  }
0x76: {  	_ =	shalt  }
0x77: {  	_ =	shalt  }
0x78: {  	_ =	shalt  }
0x79: {  	_ =	shalt  }
0x7a: {  	_ =	shalt  }
0x7b: {  	_ =	shalt  }
0x7c: {  	_ =	shalt  }
0x7d: {  	_ =	shalt  }
0x7e: {  	_ =	shalt  }
0x7f: {  	_ =	shalt  }
0x80: {  	_ =	shalt  }
0x81: {  	_ =	shalt  }
0x82: {  	_ =	shalt  }
0x83: {  	_ =	shalt  }
0x84: {  	_ =	shalt  }
0x85: {  	_ =	shalt  }
0x86: {  	_ =	shalt  }
0x87: {  	_ =	shalt  }
.Lfunc_end0:
.L_simem_size_0:
called_computation.2_lowered:
.L_overlay_start_0:
0x88: {  	s2 =	sld [smem:$0x3FD9]  }
0x89: {  	s3 =	sld [smem:$0x3FFE];
	_ =	sdelay $0x1  }
0x8a: {  	s1 =	srdreg.scid  }
0x8b: {  	s0 =	sand.u32 $0x1, s1  }
0x8c: {  	s16 =	sshll.u32 s0, $0xA;
	s2 =	sadd.s32 s3, s2  }
0x8d: {  	s2 =	sadd.s32 s2, s16  }
0x8e: {  	[smem:$0x3FBF] =	sst s2  }
0x8f: {  	_ = 	snop  }
0x90: {  	(tm) =	ssettm $0x1  }
0x91: {  	s17 =	sld [smem:$0x3FFB];
	_ =	sdelay $0x3  }
0x92: {  	_ =	strace s17  }
0x93: {  	s2 =	sld [smem:$0x3FFC];
	_ =	sdelay $0x3  }
0x94: {  	_ =	strace s2  }
0x95: {  	s2 =	sld [smem:$0x3FFD];
	_ =	sdelay $0x3  }
0x96: {  	_ =	strace s2  }
0x97: {  	_ =	strace $0x8FFFFFFF  }
0x98: {  	s18 =	sld [smem:$0x3FDB];
	_ =	sdelay $0x1  }
0x99: {  	s19 =	simm.s32 $_scs_section_size  }
0x9a: {  	s4 =	simm.s32 $_size__tile_overlayer_lowered;
	s5 =	simm.s32 $_tile_overlayer_lowered  }
0x9b: {  	s22 =	simm.s32 $0x1BFF;
	s21 =	sshll.u32 s5, $0x1;
	s2 =	sadd.s32 s19, s18  }
0x9c: {  	s6 =	simm.s32 $0x0;
	s20 =	sshll.u32 s4, $0x1;
	s4 =	sadd.s32 s21, s2  }
0x9d: {  	[timem:s6], [sflag:s22] =	dma.local [hbm:s4], s20  }
0x9e: {  	_ =	swait.ge [sflag:s22], s20  }
0x9f: {  	s3 =	ssub.s32 $0x0, s20;
	[sflag:s22] =	ssyncset.done $0x0  }
0xa0: {  	[sflag:s22] =	ssyncadd.s32 s3;
	_ =	sdelay $0x1  }
0xa1: {  	s23 =	simm.s32 $0x1B8B  }
0xa2: {  	_ =	swait.ge [sflag:s23], $0x1  }
0xa3: {  	[sflag:s23] =	ssyncset.done $0x0  }
0xa4: {  	s25 =	simm.s32 $0x1B8E;
	s24 =	sld [smem:$0x3FFE];
	[sflag:s23] =	ssyncadd.s32 $0xFFFFFFFF  }
0xa5: {  	s26 =	simm.s32 $execute0_lowered;
	[smem:$0x3FD2] =	sst s25  }
0xa6: {  	s4 =	sshll.u32 s26, $0x1;
	_ =	strace $0x8000004C;
	[dreg:$0x1] =	wrdreg $0xFFFFFFFF  }
0xa7: {  	s28 =	simm.s32 $_size_execute0_lowered;
	s2 =	sadd.s32 s2, s4;
	[dreg:$0x0] =	wrdreg $0x0  }
0xa8: {  	s4 =	sshll.u32 s28, $0x1;
	[dreg:$0x2] =	wrdreg s2  }
0xa9: {  	[dreg:$0x3] =	wrdreg s4  }
0xaa: {  	[dreg:$0x4] =	wrdreg $0xC0  }
0xab: {  	_ =	task [dreg:s6], $0x5FFFF  }
0xac: {  	[dreg:$0x1] =	wrdreg $0xFFFFFFFF  }
0xad: {  	[dreg:$0x0] =	wrdreg $0x60  }
0xae: {  	[dreg:$0x2] =	wrdreg s24  }
0xaf: {  	[dreg:$0x3] =	wrdreg $0xA0000  }
0xb0: {  	[dreg:$0x4] =	wrdreg $0x9  }
0xb1: {  	_ =	task.clear_ibuf [dreg:s6], $0x5FFFF;
	_ =	strace $0x9000004C  }
0xb2: {  	s29 =	simm.s32 $0x9;
	_ =	strace $0x8000004E  }
0xb3: {  	_ =	swait.ge [sflag:s29], $0x1  }
0xb4: {  	[sflag:s29] =	ssyncadd.s32 $0xFFFFFFFF  }
0xb5: {  	_ =	strace $0x9000004E  }
0xb6: {  	_ =	sfence  }
0xb7: {  	s30 =	sld [smem:$0x0];
	_ =	sdelay $0x2  }
0xb8: {  	s31 =	sshll.u32 s1, $0xD;
	s1 =	sshrl.u32 s1, $0x2  }
0xb9: {  	s3 =	sand.u32 $0x4000, s31;
	s1 =	sadd.s32 s1, s30  }
0xba: {  	s0 =	sor.u32 s3, s0;
	s1 =	sshll.u32 s1, $0x11  }
0xbb: {  	s0 =	sor.u32 s1, s0  }
0xbc: {  	s0 =	sadd.s32 $0x8F2B, s0  }
0xbd: {  	[sflag:s0] =	ssyncadd.remote.s32 $0x1  }
0xbe: {  	_ =	sfence.sel $0xFFFF  }
0xbf: {  	[dreg:$0x0] =	wrdreg $0xFFFFFFFF;
	(pc) =	sbr.abs _section_cstart, $3  }
0xc0: {  	[dreg:$0x1] =	wrdreg $0xFFFFFFFF  }
0xc1: {  	_ =	task.clear_ibuf [dreg:s6], $0x2FFFF;
	_ =	strace $0x9FFFFFFF  }
0xc2: {  	(tm) =	ssettm $0x7FFFFFFF  }
0xc3: {  	_ =	shalt  }
tec
execute0_lowered:
.L_overlay_start_1:
0x0: {  	(tag) =	ssettag $0x1  }
0x1: {  	s1 =	srdreg.scid;
	s6 =	rddreg [dreg:$0x0]  }
0x2: {  	s0 =	stileid.u32;
	s2 =	rddreg [dreg:$0x1];
	s3 =	simm.s32 $0x0  }
0x3: {  	s14 =	simm.s32 $0x2800;
	s15 =	simm.s32 $0x80;
	s16 =	simm.s32 $0x1  }
0x4: {  	s17 =	simm.s32 $0x20;
	s18 =	simm.s32 $0x10;
	s19 =	simm.s32 $0x0  }
0x5: {  	s5 =	sand.u32 $0x1, s1;
	s1 =	rddreg [dreg:$0x2];
	s8 =	smul.u32 $0x500, s0  }
0x6: {  	s24 =	sshll.u32 s0, $0x1;
	[smem:$0x7FF] =	sst s3;
	s28 =	smul.u32 $0xA00, s0  }
0x7: {  	s31 =	sshll.u32 s0, $0x6;
	s4 =	sor.u32 s5, s24;
	_ =	strace $0x8000004D  }
0x8: {  	s9 =	sshll.u32 s5, $0x7;
	s26 =	ssub.s32 $0x2, s5;
	s5 =	sadd.s32 $0x16C00, s6  }
0x9: {  	s7 =	smul.u32 $0x500, s4;
	s4 =	sadd.s32 $0x16E00, s6;
	s29 =	sshrl.u32 s26, $0x1  }
0xa: {  	s25 =	sor.u32 s9, s8;
	s30 =	sshrl.u32 s28, $0x2;
	s12 =	ssub.s32 s26, s29  }
0xb: {  	s13 =	sadd.s32 s30, s2;
	s10 =	sadd.s32 s7, s6;
	s7 =	sshrl.u32 s25, $0x3  }
0xc: {  	s11 =	sadd.s32 s7, s6;
	s6 =	sor.u32 $0x1C02, s31;
	s7 =	sadd.s32 $0xCC00, s10  }
0xd: {  	s8 =	sadd.s32 $0x2C00, s10;
	s10 =	smax.u32 s12, $0x1;
	s12 =	simm.s32 $0x2  }
0xe: {  	s9 =	sadd.s32 $0x17400, s11;
	s11 =	sshrl.u32 s13, $0x3;
	s13 =	simm.s32 $0x7800  }
.LBB2_1:
0xf: {  	[spmem:s11], [sflag:s6] =	dma.local [hbm:s5], $0x50  }
0x10: {  	_ =	swait.ge [sflag:s12], $0x50  }
0x11: {  	[sflag:s12] =	ssyncset.done $0x0  }
0x12: {  	[sflag:s12] =	ssyncadd.s32 $0xFFFFFFB0  }
0x13: {  	[tilespmem:s13], [sflag:$0x2] =	stream.linear.gather [hbm4b:s4+s3], $0x2800, $0x38;
	[tilespmem:$0xA280] =	vst v63  }
0x14: {  	_ =	swait.ge [sflag:s12], $0x2800  }
0x15: {  	[sflag:s12] =	ssyncset.done $0x0  }
0x16: {  	[sflag:s12] =	ssyncadd.s32 $0xFFFFD800  }
0x17: {  	[tilespmem:s3], [sflag:$0x2] =	stream.linear.gather [hbm4b:s7+s3], $0x2800, $0x38;
	[tilespmem:$0xA280] =	vst v63  }
0x18: {  	_ =	swait.ge [sflag:s12], $0x2800  }
0x19: {  	[sflag:s12] =	ssyncset.done $0x0  }
0x1a: {  	[sflag:s12] =	ssyncadd.s32 $0xFFFFD800  }
0x1b: {  	[tilespmem:s14], [sflag:$0x2] =	stream.linear.gather [hbm4b:s8+s3], $0x2800, $0x38;
	[tilespmem:$0xA280] =	vst v63  }
0x1c: {  	_ =	swait.ge [sflag:s12], $0x2800  }
0x1d: {  	[sflag:s12] =	ssyncset.done $0x0  }
0x1e: {  	[sflag:s12] =	ssyncadd.s32 $0xFFFFD800  }
0x1f: {  	s20 =	simm.s32 $0x0;
	[bflag:$0x0] =	sbarrier.arrive $0xFFFF  }
0x20: {  	s21 =	simm.s32 $0x200;
	v0 =	vld [tilespmem:s20+$0x0]  }
.LBB2_2:
0x21: {  	p0 =	sne.s32 s21, $0x9E00;
	_ =	sdelay $0x5  }
0x22: {  	v1 =	vld [tilespmem:s20+$0x10]  }
0x23: {  	v0 =	vld.idx.msk [tilespmem:v0+s13+$0x0], $0xffff;
	_ =	sdelay $0x5  }
0x24: {  	[tilespmem:s20+$0x5000] =	vst v0;
	v0 =	vld [tilespmem:s20+$0x20]  }
0x25: {  	v1 =	vld.idx.msk [tilespmem:v1+s13+$0x0], $0xffff;
	_ =	sdelay $0x5  }
0x26: {  	[tilespmem:s20+$0x5010] =	vst v1;
	v1 =	vld [tilespmem:s20+$0x30]  }
0x27: {  	v0 =	vld.idx.msk [tilespmem:v0+s13+$0x0], $0xffff;
	_ =	sdelay $0x5  }
0x28: {  	[tilespmem:s20+$0x5020] =	vst v0;
	v0 =	vld [tilespmem:s20+$0x40]  }
0x29: {  	v1 =	vld.idx.msk [tilespmem:v1+s13+$0x0], $0xffff;
	_ =	sdelay $0x5  }
0x2a: {  	[tilespmem:s20+$0x5030] =	vst v1;
	v1 =	vld [tilespmem:s20+$0x50]  }
0x2b: {  	v0 =	vld.idx.msk [tilespmem:v0+s13+$0x0], $0xffff;
	_ =	sdelay $0x5  }
0x2c: {  	[tilespmem:s20+$0x5040] =	vst v0;
	v0 =	vld [tilespmem:s20+$0x60]  }
0x2d: {  	v1 =	vld.idx.msk [tilespmem:v1+s13+$0x0], $0xffff;
	_ =	sdelay $0x5  }
0x2e: {  	[tilespmem:s20+$0x5050] =	vst v1;
	v1 =	vld [tilespmem:s20+$0x70]  }
0x2f: {  	v0 =	vld.idx.msk [tilespmem:v0+s13+$0x0], $0xffff;
	_ =	sdelay $0x5  }
0x30: {  	[tilespmem:s20+$0x5060] =	vst v0  }
0x31: {  	v0 =	vld.idx.msk [tilespmem:v1+s13+$0x0], $0xffff;
	_ =	sdelay $0x2  }
.Ltmp0:
0x32: {  	(pc) =	sbr.rel @p0 .LBB2_2-.Ltmp0, $4  }
0x33: {  	_ = 	snop  }
0x34: {  	s22 =	sshra.s32 s21, $0x2;
	s23 =	sadd.s32 $0x5000, s20;
	s24 =	sadd.s32 $0x2800, s20  }
0x35: {  	[tilespmem:s20+$0x5070] =	vst v0;
	[spmem:s2] =	stream.indirect.scatter.add.f32 [tilespmem:s23], [sflag:$0x1], $0x1, s24, s15, $0xb8  }
0x36: {  	s21 =	sadd.s32 $0x200, s21;
	s20 =	smov.u32 s22;
	v0 =	vld [tilespmem:s22+$0x0]  }
0x37: {  	_ =	sdelay $0x5  }
0x38: {  	v1 =	vld [tilespmem:s20+$0x10];
	_ =	sdelay $0x1  }
0x39: {  	v0 =	vld.idx.msk [tilespmem:v0+s13+$0x0], $0xffff;
	_ =	sdelay $0x3  }
0x3a: {  	v58 =	vld [tilespmem:s20+$0x20]  }
0x3b: {  	[tilespmem:s20+$0x5000] =	vst v0  }
0x3c: {  	v1 =	vld.idx.msk [tilespmem:v1+s13+$0x0], $0xffff;
	_ =	sdelay $0x3  }
0x3d: {  	v59 =	vld [tilespmem:s20+$0x30]  }
0x3e: {  	[tilespmem:s20+$0x5010] =	vst v1  }
0x3f: {  	v0 =	vld.idx.msk [tilespmem:v58+s13+$0x0], $0xffff;
	_ =	sdelay $0x3  }
0x40: {  	v60 =	vld [tilespmem:s20+$0x40]  }
0x41: {  	[tilespmem:s20+$0x5020] =	vst v0  }
0x42: {  	v1 =	vld.idx.msk [tilespmem:v59+s13+$0x0], $0xffff;
	_ =	sdelay $0x3  }
0x43: {  	v61 =	vld [tilespmem:s20+$0x50]  }
0x44: {  	[tilespmem:s20+$0x5030] =	vst v1  }
0x45: {  	v0 =	vld.idx.msk [tilespmem:v60+s13+$0x0], $0xffff;
	_ =	sdelay $0x3  }
0x46: {  	v62 =	vld [tilespmem:s20+$0x60]  }
0x47: {  	[tilespmem:s20+$0x5040] =	vst v0  }
0x48: {  	v1 =	vld.idx.msk [tilespmem:v61+s13+$0x0], $0xffff;
	_ =	sdelay $0x3  }
0x49: {  	v63 =	vld [tilespmem:s20+$0x70]  }
0x4a: {  	[tilespmem:s20+$0x5050] =	vst v1  }
0x4b: {  	v0 =	vld.idx.msk [tilespmem:v62+s13+$0x0], $0xffff;
	_ =	sdelay $0x4  }
0x4c: {  	[tilespmem:s20+$0x5060] =	vst v0  }
0x4d: {  	v0 =	vld.idx.msk [tilespmem:v63+s13+$0x0], $0xffff;
	_ =	sdelay $0x4  }
0x4e: {  	s21 =	sadd.s32 $0x5000, s20;
	s22 =	sadd.s32 $0x2800, s20;
	[tilespmem:s20+$0x5070] =	vst v0  }
0x4f: {  	[spmem:s2] =	stream.indirect.scatter.add.f32 [tilespmem:s21], [sflag:$0x1], $0x1, s22, s15, $0xb8;
	[tilespmem:$0xA280] =	vst v63  }
0x50: {  	_ =	swait.ge [sflag:s16], $0x80  }
0x51: {  	s20 =	simm.s32 $0x4F;
	[sflag:s16] =	ssyncset.done $0x0  }
.LBB2_4:
0x52: {  	p0 =	sne.s32 s20, $0x1;
	s20 =	sadd.s32 $0xFFFFFFFF, s20;
	[sflag:s16] =	ssyncadd.s32 $0xFFFFFF80  }
.Ltmp1:
0x53: {  	(pc) =	sbr.rel @p0 .LBB2_4-.Ltmp1, $3  }
0x54: {  	_ =	sdelay $0x1  }
0x55: {  	_ =	swait.ge [sflag:s16], $0x80  }
0x56: {  	[sflag:s16] =	ssyncset.done $0x0  }
0x57: {  	s19 =	sadd.s32 $0x1, s19  }
0x58: {  	[sflag:s16] =	ssyncadd.s32 $0xFFFFFF80;
	p0 =	sne.s32 s19, s10  }
.Ltmp2:
0x59: {  	[bflag:$0x0] =	sbarrier.arrive $0xFFFF;
	(pc) =	sbr.rel @p0 .LBB2_1-.Ltmp2, $4  }
0x5a: {  	[hbm:s9@s17], [sflag:s6] =	dma.strided [spmem:s11@s18], $0x50, s16, $0x10   }
0x5b: {  	_ =	swait.ge [sflag:s12], $0x50  }
0x5c: {  	[sflag:s12] =	ssyncset.done $0x0  }
0x5d: {  	[sflag:s12] =	ssyncadd.s32 $0xFFFFFFB0  }
0x5e: {  	_ =	sfence.sel $0x180000  }
0x5f: {  	[bflag:$0x0] =	sbarrier.arrive $0xFFFF  }
0x60: {  	p0 =	sne.s32 s0, $0x0;
	_ =	strace $0x9000004D  }
0x61: {  	s0 =	sadd.s32 @!p0 $0x100000, s1;
	[bflag:$0x2] =	sbarrier.arrive $0xFFFF  }
0x62: {  	[sflag:s0] =	ssyncadd.tile.s32 @!p0 $0x1;
	_ =	shalt  }
.Lfunc_end2:
_tile_overlayer_lowered:
.L_overlay_start_2:
0x63: {  	(tag) =	ssettag $0x2  }
0x64: {  	s0 =	rddreg [dreg:$0x0];
	s2 =	stileid.u32  }
0x65: {  	s1 =	rddreg [dreg:$0x1];
	p0 =	sne.s32 s2, $0x0  }
0x66: {  	s3 =	rddreg [dreg:$0x2];
	[bflag:$0x3] =	sbarrier.arrive $0xFFFF;
	s2 =	simm.s32 @!p0 $0x1C02  }
0x67: {  	[timem:s3], [sflag:s2] =	dma.local @!p0 [hbm:s0], s1  }
0x68: {  	s0 =	simm.s32 @!p0 $0x2  }
0x69: {  	_ =	swait.ge @!p0 [sflag:s0], s1  }
0x6a: {  	s1 =	ssub.s32 @!p0 $0x0, s1;
	[sflag:s0] =	ssyncset.done @!p0 $0x0  }
0x6b: {  	[sflag:s0] =	ssyncadd.s32 @!p0 s1  }
0x6c: {  	[bflag:$0x3] =	sbarrier.arrive $0xFFFF  }
0x6d: {  	_ =	shalt  }

// kernel: kernel.8.cloned.1.call-start
scs
__scs_entry_jumppad:
0x0: {  	(pc) =	sbr.rel $0x88, $3  }
0x1: {  	(tag) =	ssettag $0x0;
	lr =	simm.s32 $0x1  }
0x2: {  	[smem:$0x3F98] =	sst lr;
	_ =	strace $0xD0000000  }
0x3: {  	_ = 	snop  }
0x4: {  	_ = 	snop  }
0x5: {  	_ = 	snop  }
0x6: {  	_ = 	snop  }
0x7: {  	_ = 	snop  }
__scs_overlays_trampoline_lowered:
0x8: {  	[smem:$0x3FA7] =	sst s0  }
0x9: {  	[smem:$0x3FA8] =	sst s1  }
0xa: {  	[smem:$0x3FA9] =	sst s2  }
0xb: {  	[smem:$0x3FAA] =	sst s3  }
0xc: {  	[smem:$0x3FAB] =	sst s4  }
0xd: {  	[smem:$0x3FAC] =	sst s5  }
0xe: {  	[smem:$0x3FAD] =	sst s6  }
0xf: {  	[smem:$0x3FAE] =	sst s7  }
0x10: {  	[smem:$0x3FAF] =	sst s8  }
0x11: {  	[smem:$0x3FB0] =	sst s9;
	s0 =	simm.s32 @!p0 $0x0  }
0x12: {  	s1 =	sld [smem:$0x3F96];
	s0 =	simm.s32 @p0 $0x1  }
0x13: {  	[smem:$0x3FB1] =	sst s0;
	s0 =	simm.s32 @!p1 $0x0  }
0x14: {  	s2 =	sld [smem:$0x3F95];
	s0 =	simm.s32 @p1 $0x1  }
0x15: {  	[smem:$0x3FB2] =	sst s0;
	s0 =	simm.s32 @!p2 $0x0  }
0x16: {  	s3 =	sld [smem:$0x3FDB];
	s0 =	simm.s32 @p2 $0x1  }
0x17: {  	s4 =	simm.s32 $0x1BF5;
	[smem:$0x3FB4] =	sst s0  }
0x18: {  	s0 =	sld [smem:$0x3F97];
	_ =	swait.ge [sflag:s4], $0x0  }
0x19: {  	s7 =	sld [smem:$0x3F98]  }
0x1a: {  	s8 =	sadd.s32 $0xFFFFE003, lr  }
0x1b: {  	s9 =	sadd.s32 $0xFFFFFEF7, lr;
	s5 =	simm.s32 $0xFFFFFFFF;
	p2 =	slt.u32 s8, $0xFFFFF086  }
0x1c: {  	p1 =	slt.u32 s9, $0xF7A;
	s5 =	simm.s32 @!p2 $0x0  }
0x1d: {  	s5 =	simm.s32 @p1 $0x1;
	p0 =	seq.s32 s7, s2  }
0x1e: {  	s7 =	smul.u32 @!p0 $0xF7A, s2;
	p2 =	seq.s32 @!p0 s5, $0x0  }
0x1f: {  	s9 =	smul.u32 $0xF7A, s1;
	s8 =	simm.s32 @!p0 $0x1BF5;
	p2 =	por !p2, p0  }
0x20: {  	[sflag:s8] =	ssyncset.s32 @!p0 $0xFFFFF086;
	s6 =	sadd.s32 @!p0 s3, s7;
	s7 =	simm.s32 @!p0 $0x108  }
0x21: {  	s3 =	sadd.s32 s3, s9;
	s6 =	sadd.s32 @!p0 $0x88, s6;
	s7 =	simm.s32 @p2 $0x1082  }
0x22: {  	[simem:s7], [sflag:s8] =	dma.local @!p0 [hbm:s6], $0xF7A  }
0x23: {  	s9 =	sor.u32 $0xD0000000, s2;
	s6 =	simm.s32 $0x108;
	_ =	swait.ge @!p0 [sflag:s8], $0x0  }
0x24: {  	s3 =	sadd.s32 $0x88, s3;
	s6 =	simm.s32 @!p1 $0x1082;
	[sflag:s4] =	ssyncset.s32 $0xFFFFF086  }
0x25: {  	[simem:s6], [sflag:s4] =	dma.local [hbm:s3], $0xF7A  }
0x26: {  	[smem:$0x3F98] =	sst s1;
	(tag) =	ssettag s2;
	_ =	strace s9  }
0x27: {  	s1 =	sld [smem:$0x3FA8]  }
0x28: {  	s2 =	sld [smem:$0x3FA9]  }
0x29: {  	s4 =	sld [smem:$0x3FAB]  }
0x2a: {  	p0 =	seq.s32 s5, $0x0;
	s5 =	sld [smem:$0x3FAC]  }
0x2b: {  	s6 =	sld [smem:$0x3FAD]  }
0x2c: {  	s7 =	sld [smem:$0x3FAE]  }
0x2d: {  	s3 =	simm.s32 $0x108;
	s8 =	sld [smem:$0x3FAF]  }
0x2e: {  	s3 =	simm.s32 @!p0 $0x1082;
	s9 =	sld [smem:$0x3FB0]  }
0x2f: {  	lr =	sadd.s32 s0, s3;
	s0 =	sld [smem:$0x3FA7]  }
0x30: {  	s3 =	sld [smem:$0x3FAA]  }
0x31: {  	[smem:$0x3FB3] =	sst s10  }
0x32: {  	s10 =	sld [smem:$0x3FB1];
	_ =	sdelay $0x3  }
0x33: {  	p0 =	seq.s32 s10, $0x1;
	s10 =	sld [smem:$0x3FB3];
	_ =	sdelay $0x3  }
0x34: {  	[smem:$0x3FB3] =	sst s10  }
0x35: {  	s10 =	sld [smem:$0x3FB2];
	_ =	sdelay $0x3  }
0x36: {  	p1 =	seq.s32 s10, $0x1;
	s10 =	sld [smem:$0x3FB3];
	_ =	sdelay $0x3  }
0x37: {  	[smem:$0x3FB3] =	sst s10  }
0x38: {  	s10 =	sld [smem:$0x3FB4]  }
0x39: {  	_ = 	snop;
	(pc) =	sbr.ind lr, $3  }
0x3a: {  	_ = 	snop  }
0x3b: {  	_ = 	snop  }
0x3c: {  	p2 =	seq.s32 s10, $0x1;
	s10 =	sld [smem:$0x3FB3]  }
0x3d: {  	_ =	shalt  }
0x3e: {  	_ =	shalt  }
0x3f: {  	_ =	shalt  }
0x40: {  	_ =	shalt  }
0x41: {  	_ =	shalt  }
0x42: {  	_ =	shalt  }
0x43: {  	_ =	shalt  }
0x44: {  	_ =	shalt  }
0x45: {  	_ =	shalt  }
0x46: {  	_ =	shalt  }
0x47: {  	_ =	shalt  }
0x48: {  	_ =	shalt  }
0x49: {  	_ =	shalt  }
0x4a: {  	_ =	shalt  }
0x4b: {  	_ =	shalt  }
0x4c: {  	_ =	shalt  }
0x4d: {  	_ =	shalt  }
0x4e: {  	_ =	shalt  }
0x4f: {  	_ =	shalt  }
0x50: {  	_ =	shalt  }
0x51: {  	_ =	shalt  }
0x52: {  	_ =	shalt  }
0x53: {  	_ =	shalt  }
0x54: {  	_ =	shalt  }
0x55: {  	_ =	shalt  }
0x56: {  	_ =	shalt  }
0x57: {  	_ =	shalt  }
0x58: {  	_ =	shalt  }
0x59: {  	_ =	shalt  }
0x5a: {  	_ =	shalt  }
0x5b: {  	_ =	shalt  }
0x5c: {  	_ =	shalt  }
0x5d: {  	_ =	shalt  }
0x5e: {  	_ =	shalt  }
0x5f: {  	_ =	shalt  }
0x60: {  	_ =	shalt  }
0x61: {  	_ =	shalt  }
0x62: {  	_ =	shalt  }
0x63: {  	_ =	shalt  }
0x64: {  	_ =	shalt  }
0x65: {  	_ =	shalt  }
0x66: {  	_ =	shalt  }
0x67: {  	_ =	shalt  }
0x68: {  	_ =	shalt  }
0x69: {  	_ =	shalt  }
0x6a: {  	_ =	shalt  }
0x6b: {  	_ =	shalt  }
0x6c: {  	_ =	shalt  }
0x6d: {  	_ =	shalt  }
0x6e: {  	_ =	shalt  }
0x6f: {  	_ =	shalt  }
0x70: {  	_ =	shalt  }
0x71: {  	_ =	shalt  }
0x72: {  	_ =	shalt  }
0x73: {  	_ =	shalt  }
0x74: {  	_ =	shalt  }
0x75: {  	_ =	shalt  }
0x76: {  	_ =	shalt  }
0x77: {  	_ =	shalt  }
0x78: {  	_ =	shalt  }
0x79: {  	_ =	shalt  }
0x7a: {  	_ =	shalt  }
0x7b: {  	_ =	shalt  }
0x7c: {  	_ =	shalt  }
0x7d: {  	_ =	shalt  }
0x7e: {  	_ =	shalt  }
0x7f: {  	_ =	shalt  }
0x80: {  	_ =	shalt  }
0x81: {  	_ =	shalt  }
0x82: {  	_ =	shalt  }
0x83: {  	_ =	shalt  }
0x84: {  	_ =	shalt  }
0x85: {  	_ =	shalt  }
0x86: {  	_ =	shalt  }
0x87: {  	_ =	shalt  }
.Lfunc_end0:
.L_simem_size_0:
called_computation_lowered:
.L_overlay_start_0:
0x88: {  	s2 =	sld [smem:$0x3FD9]  }
0x89: {  	s3 =	sld [smem:$0x3FFE];
	_ =	sdelay $0x1  }
0x8a: {  	s1 =	srdreg.scid  }
0x8b: {  	s0 =	sand.u32 $0x1, s1  }
0x8c: {  	s17 =	sshll.u32 s0, $0xA;
	s2 =	sadd.s32 s3, s2  }
0x8d: {  	s2 =	sadd.s32 s2, s17  }
0x8e: {  	[smem:$0x3FBF] =	sst s2  }
0x8f: {  	_ = 	snop  }
0x90: {  	s2 =	sld [smem:$0x3FD0];
	(tm) =	ssettm $0x1  }
0x91: {  	s18 =	sld [smem:$0x3FFB];
	_ =	sdelay $0x3  }
0x92: {  	_ =	strace s18  }
0x93: {  	s3 =	sld [smem:$0x3FFC];
	_ =	sdelay $0x3  }
0x94: {  	_ =	strace s3  }
0x95: {  	s3 =	sld [smem:$0x3FFD];
	_ =	sdelay $0x3  }
0x96: {  	_ =	strace s3  }
0x97: {  	_ =	strace $0x8FFFFFFF  }
0x98: {  	s19 =	sld [smem:$0x3FDB];
	_ =	sdelay $0x1  }
0x99: {  	s4 =	simm.s32 $_scs_section_size  }
0x9a: {  	s5 =	simm.s32 $_size__tile_overlayer_lowered;
	s6 =	simm.s32 $_tile_overlayer_lowered  }
0x9b: {  	s22 =	simm.s32 $0x1BFF;
	s21 =	sshll.u32 s6, $0x1;
	s3 =	sadd.s32 s4, s19  }
0x9c: {  	s7 =	simm.s32 $0x0;
	s20 =	sshll.u32 s5, $0x1;
	s5 =	sadd.s32 s21, s3  }
0x9d: {  	[timem:s7], [sflag:s22] =	dma.local [hbm:s5], s20  }
0x9e: {  	_ =	swait.ge [sflag:s22], s20  }
0x9f: {  	s4 =	ssub.s32 $0x0, s20;
	[sflag:s22] =	ssyncset.done $0x0  }
0xa0: {  	[sflag:s22] =	ssyncadd.s32 s4;
	_ =	sdelay $0x1  }
0xa1: {  	s23 =	simm.s32 $0x1B8B  }
0xa2: {  	_ =	swait.ge [sflag:s23], $0x1  }
0xa3: {  	[sflag:s23] =	ssyncset.done $0x0  }
0xa4: {  	s25 =	simm.s32 $0x1B8E;
	s24 =	sld [smem:$0x3FFE];
	[sflag:s23] =	ssyncadd.s32 $0xFFFFFFFF  }
0xa5: {  	s26 =	simm.s32 $execute0_lowered;
	[smem:$0x3FD2] =	sst s25  }
0xa6: {  	s5 =	sshll.u32 s26, $0x1;
	_ =	strace $0x80000046;
	[dreg:$0x1] =	wrdreg $0xFFFFFFFF  }
0xa7: {  	s28 =	simm.s32 $_size_execute0_lowered;
	s3 =	sadd.s32 s3, s5;
	[dreg:$0x0] =	wrdreg $0x0  }
0xa8: {  	s5 =	sshll.u32 s28, $0x1;
	[dreg:$0x2] =	wrdreg s3  }
0xa9: {  	[dreg:$0x3] =	wrdreg s5  }
0xaa: {  	[dreg:$0x4] =	wrdreg $0xC0  }
0xab: {  	_ =	task [dreg:s7], $0x5FFFF  }
0xac: {  	[dreg:$0x1] =	wrdreg $0xFFFFFFFF  }
0xad: {  	[dreg:$0x0] =	wrdreg $0x60  }
0xae: {  	[dreg:$0x2] =	wrdreg s24  }
0xaf: {  	[dreg:$0x3] =	wrdreg s2  }
0xb0: {  	[dreg:$0x4] =	wrdreg $0x28800  }
0xb1: {  	[dreg:$0x5] =	wrdreg $0x9  }
0xb2: {  	_ =	task.clear_ibuf [dreg:s7], $0x6FFFF;
	_ =	strace $0x90000046  }
0xb3: {  	s29 =	simm.s32 $0x9;
	_ =	strace $0x80000048  }
0xb4: {  	_ =	swait.ge [sflag:s29], $0x1  }
0xb5: {  	[sflag:s29] =	ssyncadd.s32 $0xFFFFFFFF  }
0xb6: {  	_ =	strace $0x90000048  }
0xb7: {  	_ =	sfence  }
0xb8: {  	s30 =	sld [smem:$0x0];
	_ =	sdelay $0x2  }
0xb9: {  	s31 =	sshll.u32 s1, $0xD;
	s1 =	sshrl.u32 s1, $0x2  }
0xba: {  	s3 =	sand.u32 $0x4000, s31;
	s1 =	sadd.s32 s1, s30  }
0xbb: {  	s0 =	sor.u32 s3, s0;
	s1 =	sshll.u32 s1, $0x11  }
0xbc: {  	s0 =	sor.u32 s1, s0  }
0xbd: {  	s0 =	sadd.s32 $0x8F2B, s0  }
0xbe: {  	[sflag:s0] =	ssyncadd.remote.s32 $0x1  }
0xbf: {  	_ =	sfence.sel $0xFFFF  }
0xc0: {  	[dreg:$0x0] =	wrdreg $0xFFFFFFFF;
	(pc) =	sbr.abs _section_cstart, $3  }
0xc1: {  	[dreg:$0x1] =	wrdreg $0xFFFFFFFF  }
0xc2: {  	_ =	task.clear_ibuf [dreg:s7], $0x2FFFF;
	_ =	strace $0x9FFFFFFF  }
0xc3: {  	(tm) =	ssettm $0x7FFFFFFF  }
tec
execute0_lowered:
.L_overlay_start_1:
0x0: {  	(tag) =	ssettag $0x1  }
0x1: {  	s6 =	rddreg [dreg:$0x0]  }
0x2: {  	s1 =	srdreg.scid;
	s2 =	rddreg [dreg:$0x1]  }
0x3: {  	s0 =	stileid.u32;
	s3 =	rddreg [dreg:$0x2];
	s4 =	simm.s32 $0x0  }
0x4: {  	s13 =	simm.s32 $0x80;
	s14 =	simm.s32 $0x1;
	s15 =	simm.s32 $0x20  }
0x5: {  	s16 =	simm.s32 $0x10;
	s17 =	simm.s32 $0x0;
	s7 =	sand.u32 $0x1, s1  }
0x6: {  	s28 =	sshll.u32 s0, $0x1;
	s1 =	rddreg [dreg:$0x3];
	s8 =	smul.u32 $0x500, s0  }
0x7: {  	[smem:$0x7FF] =	sst s4;
	s29 =	smul.u32 $0xA00, s0;
	s31 =	sshll.u32 s0, $0x6  }
0x8: {  	s5 =	sor.u32 s7, s28;
	_ =	strace $0x80000047;
	s9 =	sshll.u32 s7, $0x7  }
0x9: {  	s7 =	ssub.s32 $0x2, s7;
	s5 =	smul.u32 $0x500, s5;
	s8 =	sor.u32 s9, s8  }
0xa: {  	s30 =	sshrl.u32 s7, $0x1;
	s9 =	sshrl.u32 s29, $0x2;
	s8 =	sshrl.u32 s8, $0x3  }
0xb: {  	s11 =	ssub.s32 s7, s30;
	s12 =	sadd.s32 s9, s3;
	s10 =	sadd.s32 s5, s6  }
0xc: {  	s5 =	sadd.s32 $0x16C00, s6;
	s8 =	sadd.s32 s8, s6;
	s6 =	sor.u32 $0x1C02, s31  }
0xd: {  	s9 =	smax.u32 s11, $0x1;
	s11 =	simm.s32 $0x2;
	s7 =	sadd.s32 $0x2C00, s10  }
0xe: {  	s8 =	sadd.s32 $0x16E00, s8;
	s10 =	sshrl.u32 s12, $0x3;
	s12 =	simm.s32 $0x2800  }
.LBB2_1:
0xf: {  	[spmem:s10], [sflag:s6] =	dma.local [hbm:s5], $0x50  }
0x10: {  	_ =	swait.ge [sflag:s11], $0x50  }
0x11: {  	[sflag:s11] =	ssyncset.done $0x0  }
0x12: {  	[sflag:s11] =	ssyncadd.s32 $0xFFFFFFB0  }
0x13: {  	[tilespmem:s12], [sflag:$0x2] =	stream.linear.gather [hbm4b:s2+s4], $0x80, $0x38;
	[tilespmem:$0x2B00] =	vst v63  }
0x14: {  	_ =	swait.ge [sflag:s11], $0x80  }
0x15: {  	[sflag:s11] =	ssyncset.done $0x0  }
0x16: {  	[sflag:s11] =	ssyncadd.s32 $0xFFFFFF80  }
0x17: {  	[tilespmem:s4], [sflag:$0x2] =	stream.linear.gather [hbm4b:s7+s4], $0x2800, $0x38;
	[tilespmem:$0x2B00] =	vst v63  }
0x18: {  	_ =	swait.ge [sflag:s11], $0x2800  }
0x19: {  	[sflag:s11] =	ssyncset.done $0x0  }
0x1a: {  	[sflag:s11] =	ssyncadd.s32 $0xFFFFD800  }
0x1b: {  	s18 =	simm.s32 $0x0;
	[bflag:$0x0] =	sbarrier.arrive $0xFFFF  }
.LBB2_2:
0x1c: {  	p0 =	sne.s32 s18, $0x9E00  }
.Ltmp0:
0x1d: {  	_ = 	snop;
	(pc) =	sbr.rel @p0 .LBB2_2-.Ltmp0, $3  }
0x1e: {  	_ =	sdelay $0x1  }
0x1f: {  	s19 =	sshra.s32 s18, $0x2;
	s18 =	sadd.s32 $0x200, s18  }
0x20: {  	[spmem:s3] =	stream.indirect.scatter.add.f32 [tilespmem:s12], [sflag:$0x1], $0x1, s19, s13, $0xb8;
	[tilespmem:$0x2B00] =	vst v63  }
0x21: {  	_ =	swait.ge [sflag:s14], $0x80  }
0x22: {  	s18 =	simm.s32 $0x4F;
	[sflag:s14] =	ssyncset.done $0x0  }
.LBB2_4:
0x23: {  	p0 =	sne.s32 s18, $0x1;
	s18 =	sadd.s32 $0xFFFFFFFF, s18;
	[sflag:s14] =	ssyncadd.s32 $0xFFFFFF80  }
.Ltmp1:
0x24: {  	(pc) =	sbr.rel @p0 .LBB2_4-.Ltmp1, $3  }
0x25: {  	_ =	sdelay $0x1  }
0x26: {  	_ =	swait.ge [sflag:s14], $0x80  }
0x27: {  	[sflag:s14] =	ssyncset.done $0x0  }
0x28: {  	s17 =	sadd.s32 $0x1, s17  }
0x29: {  	[sflag:s14] =	ssyncadd.s32 $0xFFFFFF80;
	p0 =	sne.s32 s17, s9  }
.Ltmp2:
0x2a: {  	[bflag:$0x0] =	sbarrier.arrive $0xFFFF;
	(pc) =	sbr.rel @p0 .LBB2_1-.Ltmp2, $4  }
0x2b: {  	[hbm:s8@s15], [sflag:s6] =	dma.strided [spmem:s10@s16], $0x50, s14, $0x10   }
0x2c: {  	_ =	swait.ge [sflag:s11], $0x50  }
0x2d: {  	[sflag:s11] =	ssyncset.done $0x0  }
0x2e: {  	[sflag:s11] =	ssyncadd.s32 $0xFFFFFFB0  }
0x2f: {  	_ =	sfence.sel $0x180000  }
0x30: {  	[bflag:$0x0] =	sbarrier.arrive $0xFFFF  }
0x31: {  	p0 =	sne.s32 s0, $0x0;
	_ =	strace $0x90000047  }
0x32: {  	s0 =	sadd.s32 @!p0 $0x100000, s1;
	[bflag:$0x2] =	sbarrier.arrive $0xFFFF  }
0x33: {  	[sflag:s0] =	ssyncadd.tile.s32 @!p0 $0x1;
	_ =	shalt  }
.Lfunc_end2:
_tile_overlayer_lowered:
.L_overlay_start_2:
0x34: {  	(tag) =	ssettag $0x2  }
0x35: {  	s0 =	rddreg [dreg:$0x0];
	s2 =	stileid.u32  }
0x36: {  	s1 =	rddreg [dreg:$0x1];
	p0 =	sne.s32 s2, $0x0  }
0x37: {  	s3 =	rddreg [dreg:$0x2];
	[bflag:$0x3] =	sbarrier.arrive $0xFFFF;
	s2 =	simm.s32 @!p0 $0x1C02  }
0x38: {  	[timem:s3], [sflag:s2] =	dma.local @!p0 [hbm:s0], s1  }
0x39: {  	s0 =	simm.s32 @!p0 $0x2  }
0x3a: {  	_ =	swait.ge @!p0 [sflag:s0], s1  }
0x3b: {  	s1 =	ssub.s32 @!p0 $0x0, s1;
	[sflag:s0] =	ssyncset.done @!p0 $0x0  }
0x3c: {  	[sflag:s0] =	ssyncadd.s32 @!p0 s1  }
0x3d: {  	[bflag:$0x3] =	sbarrier.arrive $0xFFFF  }
0x3e: {  	_ =	shalt  }

</sc_bundles>
